<compile_context>
chip_gen: v7x
topology: tpu7x:2x2x1
jax: 0.10.2.dev20260603
libtpu: 0.0.44.dev20260713+nightly
codegen_flags: <defaults>
</compile_context>

<pallas_src>
import functools

import jax
import jax.numpy as jnp
from jax import lax
from jax.experimental import pallas as pl
from jax.experimental.pallas import tpu as pltpu
from jax.experimental.pallas import tpu_sc as plsc

N = 10000
NT = 10240
E = 320000
IN = 128
H1 = 2
C1 = 64
OUT = 40
OUTP = 48
NEG = 0.2
NSC = 2
NSUB = 16
NWORK = NSC * NSUB
EPW = E // NWORK
K = 80
NCH = EPW // K


def _i16(v):
    return jnp.full((16,), v, jnp.int32)


def _make_sc_edge(C, NP, NP2, EPW, split_edges):
    NCH = EPW // K
    mesh = plsc.VectorSubcoreMesh(core_axis_name="c", subcore_axis_name="s",
                                  num_cores=NSC, num_subcores=NSUB)
    out_type = (
        jax.ShapeDtypeStruct((NSC * NT, C), jnp.float32),
        jax.ShapeDtypeStruct((NSC * NSUB * NT,), jnp.float32),
    )
    scratch = [
        pltpu.VMEM((NP,), jnp.float32),
        pltpu.VMEM((NP,), jnp.float32),
        pltpu.VMEM((NT,), jnp.float32),
        pltpu.VMEM((EPW,), jnp.int32),
        pltpu.VMEM((EPW,), jnp.int32),
        pltpu.VMEM((K, C), jnp.float32),
        pltpu.VMEM((K,), jnp.float32),
        pltpu.VMEM_SHARED((NT, C), jnp.float32),
        pltpu.SemaphoreType.DMA,
    ]

    @functools.partial(pl.kernel, out_type=out_type, mesh=mesh,
                       compiler_params=pltpu.CompilerParams(
                           needs_layout_passes=False,
                           use_tc_tiling_on_sc=False),
                       scratch_types=scratch)
    def k(src_hbm, dst_hbm, al_hbm, ar_hbm, table_hbm,
          out_hbm, asum_hbm,
          al_v, ar_v, asum_l, src_flat, dst_flat, rows_v, ae_buf,
          out_sp, sem):
        c = lax.axis_index("c")
        s = lax.axis_index("s")
        iota = lax.iota(jnp.int32, 16)
        zero16 = jnp.zeros((16,), jnp.float32)
        if split_edges:
            w = c * NSUB + s
            pbase = 0
            toff = 0
        else:
            w = s
            pbase = c * NP
            toff = c * NP2

        pltpu.sync_copy(al_hbm.at[pl.ds(pbase, NP)], al_v)
        pltpu.sync_copy(ar_hbm.at[pl.ds(pbase, NP)], ar_v)
        pltpu.sync_copy(src_hbm.at[pl.ds(w * EPW, EPW)], src_flat)
        pltpu.sync_copy(dst_hbm.at[pl.ds(w * EPW, EPW)], dst_flat)

        if not split_edges:
            def adj(i, _):
                v = plsc.load_gather(src_flat, [i * 16 + iota])
                plsc.store_scatter(src_flat, [i * 16 + iota], v + toff)
                return 0
            lax.fori_loop(0, EPW // 16, adj, 0)

        def z1(i, _):
            plsc.store_scatter(asum_l, [i * 16 + iota], zero16)
            return 0
        lax.fori_loop(0, NT // 16, z1, 0)

        def z2(i, _):
            for j in range(C // 16):
                plsc.store_scatter(rows_v, [_i16(0) + i, iota + j * 16],
                                   zero16)
            return 0
        lax.fori_loop(0, K, z2, 0)
        rpt = NT // NSUB
        for q in range(rpt // K):
            pltpu.sync_copy(rows_v, out_sp.at[pl.ds(s * rpt + q * K, K)])
        plsc.subcore_barrier()

        def chunk(kk, _):
            pltpu.async_copy(table_hbm.at[src_flat.at[pl.ds(kk * K, K)]],
                             rows_v, sem).wait()

            def grp(g, _):
                pos = kk * K + g * 16
                s16 = plsc.load_gather(src_flat, [pos + iota]) - toff
                d16 = plsc.load_gather(dst_flat, [pos + iota])
                al16 = plsc.load_gather(al_v, [s16])
                ar16 = plsc.load_gather(ar_v, [d16])
                a = al16 + ar16
                a = jnp.where(a >= 0, a, a * NEG)
                ae = jnp.exp(a)
                plsc.addupdate_scatter(asum_l, [d16], ae)
                plsc.store_scatter(ae_buf, [g * 16 + iota], ae)
                return 0
            lax.fori_loop(0, K // 16, grp, 0)

            def sc_(i, _):
                aeb = plsc.load_gather(ae_buf, [_i16(0) + i])
                for j in range(C // 16):
                    cidx = iota + j * 16
                    ridx = _i16(0) + i
                    v = plsc.load_gather(rows_v, [ridx, cidx])
                    plsc.store_scatter(rows_v, [ridx, cidx], v * aeb)
                return 0
            lax.fori_loop(0, K, sc_, 0)

            pltpu.sync_copy(rows_v,
                            out_sp.at[dst_flat.at[pl.ds(kk * K, K)]],
                            add=True)
            return 0
        lax.fori_loop(0, NCH, chunk, 0)

        pltpu.sync_copy(asum_l,
                        asum_hbm.at[pl.ds((c * NSUB + s) * NT, NT)])

        plsc.subcore_barrier()
        pltpu.sync_copy(out_sp.at[pl.ds(s * rpt, rpt)],
                        out_hbm.at[pl.ds(c * NT + s * rpt, rpt)])

    return k


_sc_edge_cache = functools.lru_cache(maxsize=None)(_make_sc_edge)


def _tc1_body(x_ref, w_ref, al_ref, ar_ref, xl_ref, alo_ref, aro_ref):
    xl = jnp.dot(x_ref[...], w_ref[...], preferred_element_type=jnp.float32)
    for h in range(H1):
        seg = xl[:, h * C1:(h + 1) * C1]
        xl_ref[h] = seg
        alo_ref[h, :] = (seg * al_ref[h, :][None, :]).sum(-1)
        aro_ref[h, :] = (seg * ar_ref[h, :][None, :]).sum(-1)


_tc1 = pl.pallas_call(
    _tc1_body,
    out_shape=(
        jax.ShapeDtypeStruct((H1, N, C1), jnp.float32),
        jax.ShapeDtypeStruct((H1, N), jnp.float32),
        jax.ShapeDtypeStruct((H1, N), jnp.float32),
    ),
)


def _tc2_body(p_ref, as_ref, w0_ref, w1_ref, al_ref, ar_ref, b_ref,
              tab_ref, alo_ref, aro_ref):
    segs = []
    for h in range(H1):
        asum_h = as_ref[pl.ds(h * NSUB, NSUB), :].sum(0)
        seg = p_ref[h] / (asum_h[:, None] + 1e-16)
        seg = seg + b_ref[h][None, :]
        seg = jnp.where(seg > 0, seg, jnp.exp(seg) - 1.0)
        segs.append(seg)
    xl2 = (jnp.dot(segs[0], w0_ref[...], preferred_element_type=jnp.float32)
           + jnp.dot(segs[1], w1_ref[...], preferred_element_type=jnp.float32))
    tab_ref[...] = xl2
    alo_ref[0, :] = (xl2 * al_ref[...][None, :]).sum(-1)
    aro_ref[0, :] = (xl2 * ar_ref[...][None, :]).sum(-1)


_tc2 = pl.pallas_call(
    _tc2_body,
    out_shape=(
        jax.ShapeDtypeStruct((NT, OUTP), jnp.float32),
        jax.ShapeDtypeStruct((1, NT), jnp.float32),
        jax.ShapeDtypeStruct((1, NT), jnp.float32),
    ),
)


def _tc3_body(p_ref, as_ref, b_ref, o_ref):
    asum = as_ref[...].sum((0, 1))
    acc = p_ref[0] + p_ref[1]
    res = acc / (asum[:, None] + 1e-16)
    o_ref[...] = res[:N, :OUT] + b_ref[...][None, :]


_tc3 = pl.pallas_call(
    _tc3_body,
    out_shape=jax.ShapeDtypeStruct((N, OUT), jnp.float32),
)


EPW1 = E // NSUB
EPW2 = E // NWORK


def kernel(x, edge_index, label_p, cm, W1, att_l1, att_r1, b1,
           W2, att_l2, att_r2, b2):
    src = edge_index[0]
    dst = edge_index[1]

    xl1, al1, ar1 = _tc1(x, W1.T, att_l1[0], att_r1[0])
    p1, asum1 = _sc_edge_cache(C1, N, N, EPW1, False)(
        src, dst, al1.reshape(-1), ar1.reshape(-1),
        xl1.reshape(H1 * N, C1))

    w2t = jnp.pad(W2.T, ((0, 0), (0, OUTP - OUT)))
    attl2 = jnp.pad(att_l2[0, 0], (0, OUTP - OUT))
    attr2 = jnp.pad(att_r2[0, 0], (0, OUTP - OUT))
    tab2, al2, ar2 = _tc2(p1.reshape(NSC, NT, C1),
                          asum1.reshape(NSC * NSUB, NT),
                          w2t[:C1], w2t[C1:], attl2, attr2,
                          b1.reshape(H1, C1))

    p2, asum2 = _sc_edge_cache(OUTP, NT, NT, EPW2, True)(
        src, dst, al2.reshape(-1), ar2.reshape(-1), tab2)
    out = _tc3(p2.reshape(NSC, NT, OUTP),
               asum2.reshape(NSC, NSUB, NT), b2)
    return out

# --- scband reference (transcript-rebuilt; emitter-appended) ---
"""Pipeline reference for scband-gat-42331197669875 (READ-ONLY COPY).

The authoritative reference and input builder live on the scoring server;
editing this copy changes nothing except your own understanding.
"""

import jax, jax.numpy as jnp
import numpy as np

N = 10000
E = 320000
IN = 128
H1 = 2
C1 = 64
OUT = 40
NCLASS = 40
NEG = 0.2

def _glorot(key, shape):
    fan_in = shape[-1]
    fan_out = int(np.prod(shape[:-1]))
    s = float(np.sqrt(6.0 / (fan_in + fan_out)))
    return jax.random.uniform(key, shape, dtype=jnp.float32, minval=-s, maxval=s)

def setup_inputs(seed: int = 0):
    key = jax.random.key(seed)
    ks = jax.random.split(key, 12)
    x = jax.random.normal(ks[0], (N, IN), dtype=jnp.float32)
    edge_index = jax.random.randint(ks[1], (2, E), 0, N, dtype=jnp.int32)
    label_p = jax.random.randint(ks[2], (N,), 0, NCLASS, dtype=jnp.int32)
    cm = jax.random.normal(ks[3], (NCLASS, NCLASS), dtype=jnp.float32)
    W1 = _glorot(ks[4], (H1 * C1, IN))
    att_l1 = _glorot(ks[5], (1, H1, C1))
    att_r1 = _glorot(ks[6], (1, H1, C1))
    b1 = jnp.zeros((H1 * C1,), dtype=jnp.float32)
    W2 = _glorot(ks[7], (OUT, H1 * C1))
    att_l2 = _glorot(ks[8], (1, 1, OUT))
    att_r2 = _glorot(ks[9], (1, 1, OUT))
    b2 = jnp.zeros((OUT,), dtype=jnp.float32)
    return {"x": x, "edge_index": edge_index, "label_p": label_p, "cm": cm,
            "W1": W1, "att_l1": att_l1, "att_r1": att_r1, "b1": b1,
            "W2": W2, "att_l2": att_l2, "att_r2": att_r2, "b2": b2}

def _gat_conv(x, src, dst, W, att_l, att_r, bias, heads, out_ch, concat):
    n = x.shape[0]
    xl = (x @ W.T).reshape(n, heads, out_ch)
    al = (xl * att_l).sum(axis=-1)
    ar = (xl * att_r).sum(axis=-1)
    alpha = al[src] + ar[dst]
    alpha = jax.nn.leaky_relu(alpha, NEG)
    amax = jax.ops.segment_max(alpha, dst, num_segments=n)
    amax = jnp.where(jnp.isfinite(amax), amax, 0.0)
    ae = jnp.exp(alpha - amax[dst])
    asum = jax.ops.segment_sum(ae, dst, num_segments=n)
    anorm = ae / (asum[dst] + 1e-16)
    msg = xl[src] * anorm[:, :, None]
    out = jax.ops.segment_sum(msg, dst, num_segments=n)
    if concat:
        out = out.reshape(n, heads * out_ch)
    else:
        out = out.mean(axis=1)
    return out + bias

def reference(x, edge_index, label_p, cm, W1, att_l1, att_r1, b1, W2, att_l2, att_r2, b2):
    # rsl == 0.0 so the label_p / cm residual-structure branch is skipped,
    # matching the torch module's forward path exactly.
    src = edge_index[0]
    dst = edge_index[1]
    h = _gat_conv(x, src, dst, W1, att_l1, att_r1, b1, H1, C1, True)
    h = jax.nn.elu(h)
    # dropout p=0.0 -> identity
    out = _gat_conv(h, src, dst, W2, att_l2, att_r2, b2, 1, OUT, False)
    return out

if __name__ == "__main__":
    import jax
    _d = setup_inputs()
    print(jax.jit(kernel)(*tuple(_d.values())))

</pallas_src>

<mosaic_0001>
#map = affine_map<(d0, d1) -> (0)>
#map1 = affine_map<(d0, d1) -> (0, 0)>
module attributes {stable_mosaic.version = 14 : i64} {
  func.func @k(%arg0: i32, %arg1: i32, %arg2: memref<320000xi32, #tpu.memory_space<hbm>>, %arg3: memref<320000xi32, #tpu.memory_space<hbm>>, %arg4: memref<20000xf32, #tpu.memory_space<hbm>>, %arg5: memref<20000xf32, #tpu.memory_space<hbm>>, %arg6: memref<20000x64xf32, #tpu.memory_space<hbm>>, %arg7: memref<20480x64xf32, #tpu.memory_space<hbm>>, %arg8: memref<327680xf32, #tpu.memory_space<hbm>>, %arg9: memref<10000xf32, #tpu.memory_space<vmem>>, %arg10: memref<10000xf32, #tpu.memory_space<vmem>>, %arg11: memref<10240xf32, #tpu.memory_space<vmem>>, %arg12: memref<20000xi32, #tpu.memory_space<vmem>>, %arg13: memref<20000xi32, #tpu.memory_space<vmem>>, %arg14: memref<80x64xf32, #tpu.memory_space<vmem>>, %arg15: memref<80xf32, #tpu.memory_space<vmem>>, %arg16: memref<10240x64xf32, #tpu.memory_space<vmem_shared>>, %arg17: memref<!tpu.dma_semaphore, #tpu.memory_space<semaphore_mem>>) attributes {dimension_semantics = [#tpu.dimension_semantics<core_parallel>, #tpu.dimension_semantics<subcore_parallel>], iteration_bounds = array<i64: 2, 16>, scalar_prefetch = 0 : i64, scratch_operands = 9 : i64, tpu.core_type = #tpu.core_type<sc_vector_subcore>, window_params = [{transform_indices = #map}, {transform_indices = #map}, {transform_indices = #map}, {transform_indices = #map}, {transform_indices = #map1}, {transform_indices = #map1}, {transform_indices = #map}]} {
    %iota3A = tpu.iota {dimensions = array<i32: 0>} : vector<16xi32>
    %broadcast_in_dim3A = arith.constant 0.000000e+00 : f32
    %broadcast_in_dim3A_0 = vector.broadcast %broadcast_in_dim3A : f32 to vector<16xf32>
    %mul3A = arith.constant 10000 : i32
    %mul3A_1 = arith.muli %arg0, %mul3A : i32
    %mul3A_2 = arith.constant 10000 : i32
    %mul3A_3 = arith.muli %arg0, %mul3A_2 : i32
    "tpu.region"() ({
      %run_scoped3A = tpu.sem_alloc : memref<!tpu.dma_semaphore, #tpu.memory_space<semaphore_mem>>
      %dma_start3A = tpu.memref_slice %arg4[%mul3A_1] : memref<20000xf32, #tpu.memory_space<hbm>> -> memref<10000xf32, #tpu.memory_space<hbm>>
      %dma_start3A_79 = tpu.memref_slice %arg4[%mul3A_1] : memref<20000xf32, #tpu.memory_space<hbm>> -> memref<10000xf32, #tpu.memory_space<hbm>>
      tpu.enqueue_dma source(%dma_start3A_79 : memref<10000xf32, #tpu.memory_space<hbm>>) target(%arg9 : memref<10000xf32, #tpu.memory_space<vmem>>) target_semaphore(%run_scoped3A : memref<!tpu.dma_semaphore, #tpu.memory_space<semaphore_mem>>)
      %dma_wait3A = tpu.memref_slice %arg4[%mul3A_1] : memref<20000xf32, #tpu.memory_space<hbm>> -> memref<10000xf32, #tpu.memory_space<hbm>>
      %dma_wait3A_80 = tpu.memref_slice %arg4[%mul3A_1] : memref<20000xf32, #tpu.memory_space<hbm>> -> memref<10000xf32, #tpu.memory_space<hbm>>
      tpu.wait_dma2 semaphore(%run_scoped3A : memref<!tpu.dma_semaphore, #tpu.memory_space<semaphore_mem>>) src(%dma_wait3A_80 : memref<10000xf32, #tpu.memory_space<hbm>>) dst(%arg9 : memref<10000xf32, #tpu.memory_space<vmem>>)
      tpu.yield
    }) : () -> ()
    "tpu.region"() ({
      %run_scoped3A = tpu.sem_alloc : memref<!tpu.dma_semaphore, #tpu.memory_space<semaphore_mem>>
      %dma_start3A = tpu.memref_slice %arg5[%mul3A_1] : memref<20000xf32, #tpu.memory_space<hbm>> -> memref<10000xf32, #tpu.memory_space<hbm>>
      %dma_start3A_79 = tpu.memref_slice %arg5[%mul3A_1] : memref<20000xf32, #tpu.memory_space<hbm>> -> memref<10000xf32, #tpu.memory_space<hbm>>
      tpu.enqueue_dma source(%dma_start3A_79 : memref<10000xf32, #tpu.memory_space<hbm>>) target(%arg10 : memref<10000xf32, #tpu.memory_space<vmem>>) target_semaphore(%run_scoped3A : memref<!tpu.dma_semaphore, #tpu.memory_space<semaphore_mem>>)
      %dma_wait3A = tpu.memref_slice %arg5[%mul3A_1] : memref<20000xf32, #tpu.memory_space<hbm>> -> memref<10000xf32, #tpu.memory_space<hbm>>
      %dma_wait3A_80 = tpu.memref_slice %arg5[%mul3A_1] : memref<20000xf32, #tpu.memory_space<hbm>> -> memref<10000xf32, #tpu.memory_space<hbm>>
      tpu.wait_dma2 semaphore(%run_scoped3A : memref<!tpu.dma_semaphore, #tpu.memory_space<semaphore_mem>>) src(%dma_wait3A_80 : memref<10000xf32, #tpu.memory_space<hbm>>) dst(%arg10 : memref<10000xf32, #tpu.memory_space<vmem>>)
      tpu.yield
    }) : () -> ()
    %mul3A_4 = arith.constant 20000 : i32
    %mul3A_5 = arith.muli %arg1, %mul3A_4 : i32
    "tpu.region"() ({
      %run_scoped3A = tpu.sem_alloc : memref<!tpu.dma_semaphore, #tpu.memory_space<semaphore_mem>>
      %dma_start3A = tpu.memref_slice %arg2[%mul3A_5] : memref<320000xi32, #tpu.memory_space<hbm>> -> memref<20000xi32, #tpu.memory_space<hbm>>
      %dma_start3A_79 = tpu.memref_slice %arg2[%mul3A_5] : memref<320000xi32, #tpu.memory_space<hbm>> -> memref<20000xi32, #tpu.memory_space<hbm>>
      tpu.enqueue_dma source(%dma_start3A_79 : memref<20000xi32, #tpu.memory_space<hbm>>) target(%arg12 : memref<20000xi32, #tpu.memory_space<vmem>>) target_semaphore(%run_scoped3A : memref<!tpu.dma_semaphore, #tpu.memory_space<semaphore_mem>>)
      %dma_wait3A = tpu.memref_slice %arg2[%mul3A_5] : memref<320000xi32, #tpu.memory_space<hbm>> -> memref<20000xi32, #tpu.memory_space<hbm>>
      %dma_wait3A_80 = tpu.memref_slice %arg2[%mul3A_5] : memref<320000xi32, #tpu.memory_space<hbm>> -> memref<20000xi32, #tpu.memory_space<hbm>>
      tpu.wait_dma2 semaphore(%run_scoped3A : memref<!tpu.dma_semaphore, #tpu.memory_space<semaphore_mem>>) src(%dma_wait3A_80 : memref<20000xi32, #tpu.memory_space<hbm>>) dst(%arg12 : memref<20000xi32, #tpu.memory_space<vmem>>)
      tpu.yield
    }) : () -> ()
    %mul3A_6 = arith.constant 20000 : i32
    %mul3A_7 = arith.muli %arg1, %mul3A_6 : i32
    "tpu.region"() ({
      %run_scoped3A = tpu.sem_alloc : memref<!tpu.dma_semaphore, #tpu.memory_space<semaphore_mem>>
      %dma_start3A = tpu.memref_slice %arg3[%mul3A_7] : memref<320000xi32, #tpu.memory_space<hbm>> -> memref<20000xi32, #tpu.memory_space<hbm>>
      %dma_start3A_79 = tpu.memref_slice %arg3[%mul3A_7] : memref<320000xi32, #tpu.memory_space<hbm>> -> memref<20000xi32, #tpu.memory_space<hbm>>
      tpu.enqueue_dma source(%dma_start3A_79 : memref<20000xi32, #tpu.memory_space<hbm>>) target(%arg13 : memref<20000xi32, #tpu.memory_space<vmem>>) target_semaphore(%run_scoped3A : memref<!tpu.dma_semaphore, #tpu.memory_space<semaphore_mem>>)
      %dma_wait3A = tpu.memref_slice %arg3[%mul3A_7] : memref<320000xi32, #tpu.memory_space<hbm>> -> memref<20000xi32, #tpu.memory_space<hbm>>
      %dma_wait3A_80 = tpu.memref_slice %arg3[%mul3A_7] : memref<320000xi32, #tpu.memory_space<hbm>> -> memref<20000xi32, #tpu.memory_space<hbm>>
      tpu.wait_dma2 semaphore(%run_scoped3A : memref<!tpu.dma_semaphore, #tpu.memory_space<semaphore_mem>>) src(%dma_wait3A_80 : memref<20000xi32, #tpu.memory_space<hbm>>) dst(%arg13 : memref<20000xi32, #tpu.memory_space<vmem>>)
      tpu.yield
    }) : () -> ()
    %scan3A = arith.constant 0 : i32
    %scan3A_8 = arith.constant 0 : i32
    %scan3A_9 = arith.constant 1250 : i32
    %scan3A_10 = arith.addi %scan3A_8, %scan3A_9 : i32
    %scan3A_11 = arith.constant 1 : i32
    %scan3A_12 = scf.for %scan3A_79 = %scan3A_8 to %scan3A_10 step %scan3A_11 iter_args(%scan3A_80 = %scan3A) -> (i32)  : i32 {
      %mul3A_81 = arith.constant 16 : i32
      %mul3A_82 = arith.muli %scan3A_79, %mul3A_81 : i32
      %add3A_83 = vector.broadcast %mul3A_82 : i32 to vector<16xi32>
      %add3A_84 = arith.addi %add3A_83, %iota3A : vector<16xi32>
      %gather3A = tpu.vector_load_idx %arg12[%add3A_84] : memref<20000xi32, #tpu.memory_space<vmem>>[vector<16xi32>], vector<16xi32>,
      %mul3A_85 = arith.constant 16 : i32
      %mul3A_86 = arith.muli %scan3A_79, %mul3A_85 : i32
      %add3A_87 = vector.broadcast %mul3A_86 : i32 to vector<16xi32>
      %add3A_88 = arith.addi %add3A_87, %iota3A : vector<16xi32>
      %add3A_89 = vector.broadcast %mul3A_3 : i32 to vector<16xi32>
      %add3A_90 = arith.addi %gather3A, %add3A_89 : vector<16xi32>
      tpu.vector_store_idx %arg12[%add3A_88], %add3A_90 : memref<20000xi32, #tpu.memory_space<vmem>>[vector<16xi32>], vector<16xi32>,
      %scan3A_91 = arith.constant 0 : i32
      scf.yield %scan3A_91 : i32
    }
    %scan3A_13 = arith.constant 1250 : i32
    %scan3A_14 = arith.constant 0 : i32
    %scan3A_15 = arith.constant 0 : i32
    %scan3A_16 = arith.constant 640 : i32
    %scan3A_17 = arith.addi %scan3A_15, %scan3A_16 : i32
    %scan3A_18 = arith.constant 1 : i32
    %scan3A_19 = scf.for %scan3A_79 = %scan3A_15 to %scan3A_17 step %scan3A_18 iter_args(%scan3A_80 = %scan3A_14) -> (i32)  : i32 {
      %mul3A_81 = arith.constant 16 : i32
      %mul3A_82 = arith.muli %scan3A_79, %mul3A_81 : i32
      %add3A_83 = vector.broadcast %mul3A_82 : i32 to vector<16xi32>
      %add3A_84 = arith.addi %add3A_83, %iota3A : vector<16xi32>
      tpu.vector_store_idx %arg11[%add3A_84], %broadcast_in_dim3A_0 : memref<10240xf32, #tpu.memory_space<vmem>>[vector<16xi32>], vector<16xf32>,
      %scan3A_85 = arith.constant 0 : i32
      scf.yield %scan3A_85 : i32
    }
    %scan3A_20 = arith.constant 640 : i32
    %scan3A_21 = arith.constant 0 : i32
    %scan3A_22 = arith.constant 0 : i32
    %scan3A_23 = arith.constant 80 : i32
    %scan3A_24 = arith.addi %scan3A_22, %scan3A_23 : i32
    %scan3A_25 = arith.constant 1 : i32
    %scan3A_26 = scf.for %scan3A_79 = %scan3A_22 to %scan3A_24 step %scan3A_25 iter_args(%scan3A_80 = %scan3A_21) -> (i32)  : i32 {
      %broadcast_in_dim3A_81 = arith.constant 0 : i32
      %broadcast_in_dim3A_82 = vector.broadcast %broadcast_in_dim3A_81 : i32 to vector<16xi32>
      %add3A_83 = vector.broadcast %scan3A_79 : i32 to vector<16xi32>
      %add3A_84 = arith.addi %broadcast_in_dim3A_82, %add3A_83 : vector<16xi32>
      %add3A_85 = arith.constant 0 : i32
      %add3A_86 = vector.broadcast %add3A_85 : i32 to vector<16xi32>
      %add3A_87 = arith.addi %iota3A, %add3A_86 : vector<16xi32>
      tpu.vector_store_idx %arg14[%add3A_84, %add3A_87], %broadcast_in_dim3A_0 : memref<80x64xf32, #tpu.memory_space<vmem>>[vector<16xi32>, vector<16xi32>], vector<16xf32>,
      %broadcast_in_dim3A_88 = arith.constant 0 : i32
      %broadcast_in_dim3A_89 = vector.broadcast %broadcast_in_dim3A_88 : i32 to vector<16xi32>
      %add3A_90 = vector.broadcast %scan3A_79 : i32 to vector<16xi32>
      %add3A_91 = arith.addi %broadcast_in_dim3A_89, %add3A_90 : vector<16xi32>
      %add3A_92 = arith.constant 16 : i32
      %add3A_93 = vector.broadcast %add3A_92 : i32 to vector<16xi32>
      %add3A_94 = arith.addi %iota3A, %add3A_93 : vector<16xi32>
      tpu.vector_store_idx %arg14[%add3A_91, %add3A_94], %broadcast_in_dim3A_0 : memref<80x64xf32, #tpu.memory_space<vmem>>[vector<16xi32>, vector<16xi32>], vector<16xf32>,
      %broadcast_in_dim3A_95 = arith.constant 0 : i32
      %broadcast_in_dim3A_96 = vector.broadcast %broadcast_in_dim3A_95 : i32 to vector<16xi32>
      %add3A_97 = vector.broadcast %scan3A_79 : i32 to vector<16xi32>
      %add3A_98 = arith.addi %broadcast_in_dim3A_96, %add3A_97 : vector<16xi32>
      %add3A_99 = arith.constant 32 : i32
      %add3A_100 = vector.broadcast %add3A_99 : i32 to vector<16xi32>
      %add3A_101 = arith.addi %iota3A, %add3A_100 : vector<16xi32>
      tpu.vector_store_idx %arg14[%add3A_98, %add3A_101], %broadcast_in_dim3A_0 : memref<80x64xf32, #tpu.memory_space<vmem>>[vector<16xi32>, vector<16xi32>], vector<16xf32>,
      %broadcast_in_dim3A_102 = arith.constant 0 : i32
      %broadcast_in_dim3A_103 = vector.broadcast %broadcast_in_dim3A_102 : i32 to vector<16xi32>
      %add3A_104 = vector.broadcast %scan3A_79 : i32 to vector<16xi32>
      %add3A_105 = arith.addi %broadcast_in_dim3A_103, %add3A_104 : vector<16xi32>
      %add3A_106 = arith.constant 48 : i32
      %add3A_107 = vector.broadcast %add3A_106 : i32 to vector<16xi32>
      %add3A_108 = arith.addi %iota3A, %add3A_107 : vector<16xi32>
      tpu.vector_store_idx %arg14[%add3A_105, %add3A_108], %broadcast_in_dim3A_0 : memref<80x64xf32, #tpu.memory_space<vmem>>[vector<16xi32>, vector<16xi32>], vector<16xf32>,
      %scan3A_109 = arith.constant 0 : i32
      scf.yield %scan3A_109 : i32
    }
    %scan3A_27 = arith.constant 80 : i32
    %mul3A_28 = arith.constant 640 : i32
    %mul3A_29 = arith.muli %arg1, %mul3A_28 : i32
    %add3A = arith.constant 0 : i32
    %add3A_30 = arith.addi %mul3A_29, %add3A : i32
    "tpu.region"() ({
      %run_scoped3A = tpu.sem_alloc : memref<!tpu.dma_semaphore, #tpu.memory_space<semaphore_mem>>
      %dma_start3A = arith.constant 0 : i32
      %dma_start3A_79 = tpu.memref_slice %arg16[%add3A_30, %dma_start3A] : memref<10240x64xf32, #tpu.memory_space<vmem_shared>> -> memref<80x64xf32, #tpu.memory_space<vmem_shared>>
      %dma_start3A_80 = arith.constant 0 : i32
      %dma_start3A_81 = tpu.memref_slice %arg16[%add3A_30, %dma_start3A_80] : memref<10240x64xf32, #tpu.memory_space<vmem_shared>> -> memref<80x64xf32, #tpu.memory_space<vmem_shared>>
      tpu.enqueue_dma source(%arg14 : memref<80x64xf32, #tpu.memory_space<vmem>>) target(%dma_start3A_81 : memref<80x64xf32, #tpu.memory_space<vmem_shared>>) target_semaphore(%run_scoped3A : memref<!tpu.dma_semaphore, #tpu.memory_space<semaphore_mem>>)
      %dma_wait3A = arith.constant 0 : i32
      %dma_wait3A_82 = tpu.memref_slice %arg16[%add3A_30, %dma_wait3A] : memref<10240x64xf32, #tpu.memory_space<vmem_shared>> -> memref<80x64xf32, #tpu.memory_space<vmem_shared>>
      %dma_wait3A_83 = arith.constant 0 : i32
      %dma_wait3A_84 = tpu.memref_slice %arg16[%add3A_30, %dma_wait3A_83] : memref<10240x64xf32, #tpu.memory_space<vmem_shared>> -> memref<80x64xf32, #tpu.memory_space<vmem_shared>>
      tpu.wait_dma2 semaphore(%run_scoped3A : memref<!tpu.dma_semaphore, #tpu.memory_space<semaphore_mem>>) src(%arg14 : memref<80x64xf32, #tpu.memory_space<vmem>>) dst(%dma_wait3A_84 : memref<80x64xf32, #tpu.memory_space<vmem_shared>>)
      tpu.yield
    }) : () -> ()
    %mul3A_31 = arith.constant 640 : i32
    %mul3A_32 = arith.muli %arg1, %mul3A_31 : i32
    %add3A_33 = arith.constant 80 : i32
    %add3A_34 = arith.addi %mul3A_32, %add3A_33 : i32
    "tpu.region"() ({
      %run_scoped3A = tpu.sem_alloc : memref<!tpu.dma_semaphore, #tpu.memory_space<semaphore_mem>>
      %dma_start3A = arith.constant 0 : i32
      %dma_start3A_79 = tpu.memref_slice %arg16[%add3A_34, %dma_start3A] : memref<10240x64xf32, #tpu.memory_space<vmem_shared>> -> memref<80x64xf32, #tpu.memory_space<vmem_shared>>
      %dma_start3A_80 = arith.constant 0 : i32
      %dma_start3A_81 = tpu.memref_slice %arg16[%add3A_34, %dma_start3A_80] : memref<10240x64xf32, #tpu.memory_space<vmem_shared>> -> memref<80x64xf32, #tpu.memory_space<vmem_shared>>
      tpu.enqueue_dma source(%arg14 : memref<80x64xf32, #tpu.memory_space<vmem>>) target(%dma_start3A_81 : memref<80x64xf32, #tpu.memory_space<vmem_shared>>) target_semaphore(%run_scoped3A : memref<!tpu.dma_semaphore, #tpu.memory_space<semaphore_mem>>)
      %dma_wait3A = arith.constant 0 : i32
      %dma_wait3A_82 = tpu.memref_slice %arg16[%add3A_34, %dma_wait3A] : memref<10240x64xf32, #tpu.memory_space<vmem_shared>> -> memref<80x64xf32, #tpu.memory_space<vmem_shared>>
      %dma_wait3A_83 = arith.constant 0 : i32
      %dma_wait3A_84 = tpu.memref_slice %arg16[%add3A_34, %dma_wait3A_83] : memref<10240x64xf32, #tpu.memory_space<vmem_shared>> -> memref<80x64xf32, #tpu.memory_space<vmem_shared>>
      tpu.wait_dma2 semaphore(%run_scoped3A : memref<!tpu.dma_semaphore, #tpu.memory_space<semaphore_mem>>) src(%arg14 : memref<80x64xf32, #tpu.memory_space<vmem>>) dst(%dma_wait3A_84 : memref<80x64xf32, #tpu.memory_space<vmem_shared>>)
      tpu.yield
    }) : () -> ()
    %mul3A_35 = arith.constant 640 : i32
    %mul3A_36 = arith.muli %arg1, %mul3A_35 : i32
    %add3A_37 = arith.constant 160 : i32
    %add3A_38 = arith.addi %mul3A_36, %add3A_37 : i32
    "tpu.region"() ({
      %run_scoped3A = tpu.sem_alloc : memref<!tpu.dma_semaphore, #tpu.memory_space<semaphore_mem>>
      %dma_start3A = arith.constant 0 : i32
      %dma_start3A_79 = tpu.memref_slice %arg16[%add3A_38, %dma_start3A] : memref<10240x64xf32, #tpu.memory_space<vmem_shared>> -> memref<80x64xf32, #tpu.memory_space<vmem_shared>>
      %dma_start3A_80 = arith.constant 0 : i32
      %dma_start3A_81 = tpu.memref_slice %arg16[%add3A_38, %dma_start3A_80] : memref<10240x64xf32, #tpu.memory_space<vmem_shared>> -> memref<80x64xf32, #tpu.memory_space<vmem_shared>>
      tpu.enqueue_dma source(%arg14 : memref<80x64xf32, #tpu.memory_space<vmem>>) target(%dma_start3A_81 : memref<80x64xf32, #tpu.memory_space<vmem_shared>>) target_semaphore(%run_scoped3A : memref<!tpu.dma_semaphore, #tpu.memory_space<semaphore_mem>>)
      %dma_wait3A = arith.constant 0 : i32
      %dma_wait3A_82 = tpu.memref_slice %arg16[%add3A_38, %dma_wait3A] : memref<10240x64xf32, #tpu.memory_space<vmem_shared>> -> memref<80x64xf32, #tpu.memory_space<vmem_shared>>
      %dma_wait3A_83 = arith.constant 0 : i32
      %dma_wait3A_84 = tpu.memref_slice %arg16[%add3A_38, %dma_wait3A_83] : memref<10240x64xf32, #tpu.memory_space<vmem_shared>> -> memref<80x64xf32, #tpu.memory_space<vmem_shared>>
      tpu.wait_dma2 semaphore(%run_scoped3A : memref<!tpu.dma_semaphore, #tpu.memory_space<semaphore_mem>>) src(%arg14 : memref<80x64xf32, #tpu.memory_space<vmem>>) dst(%dma_wait3A_84 : memref<80x64xf32, #tpu.memory_space<vmem_shared>>)
      tpu.yield
    }) : () -> ()
    %mul3A_39 = arith.constant 640 : i32
    %mul3A_40 = arith.muli %arg1, %mul3A_39 : i32
    %add3A_41 = arith.constant 240 : i32
    %add3A_42 = arith.addi %mul3A_40, %add3A_41 : i32
    "tpu.region"() ({
      %run_scoped3A = tpu.sem_alloc : memref<!tpu.dma_semaphore, #tpu.memory_space<semaphore_mem>>
      %dma_start3A = arith.constant 0 : i32
      %dma_start3A_79 = tpu.memref_slice %arg16[%add3A_42, %dma_start3A] : memref<10240x64xf32, #tpu.memory_space<vmem_shared>> -> memref<80x64xf32, #tpu.memory_space<vmem_shared>>
      %dma_start3A_80 = arith.constant 0 : i32
      %dma_start3A_81 = tpu.memref_slice %arg16[%add3A_42, %dma_start3A_80] : memref<10240x64xf32, #tpu.memory_space<vmem_shared>> -> memref<80x64xf32, #tpu.memory_space<vmem_shared>>
      tpu.enqueue_dma source(%arg14 : memref<80x64xf32, #tpu.memory_space<vmem>>) target(%dma_start3A_81 : memref<80x64xf32, #tpu.memory_space<vmem_shared>>) target_semaphore(%run_scoped3A : memref<!tpu.dma_semaphore, #tpu.memory_space<semaphore_mem>>)
      %dma_wait3A = arith.constant 0 : i32
      %dma_wait3A_82 = tpu.memref_slice %arg16[%add3A_42, %dma_wait3A] : memref<10240x64xf32, #tpu.memory_space<vmem_shared>> -> memref<80x64xf32, #tpu.memory_space<vmem_shared>>
      %dma_wait3A_83 = arith.constant 0 : i32
      %dma_wait3A_84 = tpu.memref_slice %arg16[%add3A_42, %dma_wait3A_83] : memref<10240x64xf32, #tpu.memory_space<vmem_shared>> -> memref<80x64xf32, #tpu.memory_space<vmem_shared>>
      tpu.wait_dma2 semaphore(%run_scoped3A : memref<!tpu.dma_semaphore, #tpu.memory_space<semaphore_mem>>) src(%arg14 : memref<80x64xf32, #tpu.memory_space<vmem>>) dst(%dma_wait3A_84 : memref<80x64xf32, #tpu.memory_space<vmem_shared>>)
      tpu.yield
    }) : () -> ()
    %mul3A_43 = arith.constant 640 : i32
    %mul3A_44 = arith.muli %arg1, %mul3A_43 : i32
    %add3A_45 = arith.constant 320 : i32
    %add3A_46 = arith.addi %mul3A_44, %add3A_45 : i32
    "tpu.region"() ({
      %run_scoped3A = tpu.sem_alloc : memref<!tpu.dma_semaphore, #tpu.memory_space<semaphore_mem>>
      %dma_start3A = arith.constant 0 : i32
      %dma_start3A_79 = tpu.memref_slice %arg16[%add3A_46, %dma_start3A] : memref<10240x64xf32, #tpu.memory_space<vmem_shared>> -> memref<80x64xf32, #tpu.memory_space<vmem_shared>>
      %dma_start3A_80 = arith.constant 0 : i32
      %dma_start3A_81 = tpu.memref_slice %arg16[%add3A_46, %dma_start3A_80] : memref<10240x64xf32, #tpu.memory_space<vmem_shared>> -> memref<80x64xf32, #tpu.memory_space<vmem_shared>>
      tpu.enqueue_dma source(%arg14 : memref<80x64xf32, #tpu.memory_space<vmem>>) target(%dma_start3A_81 : memref<80x64xf32, #tpu.memory_space<vmem_shared>>) target_semaphore(%run_scoped3A : memref<!tpu.dma_semaphore, #tpu.memory_space<semaphore_mem>>)
      %dma_wait3A = arith.constant 0 : i32
      %dma_wait3A_82 = tpu.memref_slice %arg16[%add3A_46, %dma_wait3A] : memref<10240x64xf32, #tpu.memory_space<vmem_shared>> -> memref<80x64xf32, #tpu.memory_space<vmem_shared>>
      %dma_wait3A_83 = arith.constant 0 : i32
      %dma_wait3A_84 = tpu.memref_slice %arg16[%add3A_46, %dma_wait3A_83] : memref<10240x64xf32, #tpu.memory_space<vmem_shared>> -> memref<80x64xf32, #tpu.memory_space<vmem_shared>>
      tpu.wait_dma2 semaphore(%run_scoped3A : memref<!tpu.dma_semaphore, #tpu.memory_space<semaphore_mem>>) src(%arg14 : memref<80x64xf32, #tpu.memory_space<vmem>>) dst(%dma_wait3A_84 : memref<80x64xf32, #tpu.memory_space<vmem_shared>>)
      tpu.yield
    }) : () -> ()
    %mul3A_47 = arith.constant 640 : i32
    %mul3A_48 = arith.muli %arg1, %mul3A_47 : i32
    %add3A_49 = arith.constant 400 : i32
    %add3A_50 = arith.addi %mul3A_48, %add3A_49 : i32
    "tpu.region"() ({
      %run_scoped3A = tpu.sem_alloc : memref<!tpu.dma_semaphore, #tpu.memory_space<semaphore_mem>>
      %dma_start3A = arith.constant 0 : i32
      %dma_start3A_79 = tpu.memref_slice %arg16[%add3A_50, %dma_start3A] : memref<10240x64xf32, #tpu.memory_space<vmem_shared>> -> memref<80x64xf32, #tpu.memory_space<vmem_shared>>
      %dma_start3A_80 = arith.constant 0 : i32
      %dma_start3A_81 = tpu.memref_slice %arg16[%add3A_50, %dma_start3A_80] : memref<10240x64xf32, #tpu.memory_space<vmem_shared>> -> memref<80x64xf32, #tpu.memory_space<vmem_shared>>
      tpu.enqueue_dma source(%arg14 : memref<80x64xf32, #tpu.memory_space<vmem>>) target(%dma_start3A_81 : memref<80x64xf32, #tpu.memory_space<vmem_shared>>) target_semaphore(%run_scoped3A : memref<!tpu.dma_semaphore, #tpu.memory_space<semaphore_mem>>)
      %dma_wait3A = arith.constant 0 : i32
      %dma_wait3A_82 = tpu.memref_slice %arg16[%add3A_50, %dma_wait3A] : memref<10240x64xf32, #tpu.memory_space<vmem_shared>> -> memref<80x64xf32, #tpu.memory_space<vmem_shared>>
      %dma_wait3A_83 = arith.constant 0 : i32
      %dma_wait3A_84 = tpu.memref_slice %arg16[%add3A_50, %dma_wait3A_83] : memref<10240x64xf32, #tpu.memory_space<vmem_shared>> -> memref<80x64xf32, #tpu.memory_space<vmem_shared>>
      tpu.wait_dma2 semaphore(%run_scoped3A : memref<!tpu.dma_semaphore, #tpu.memory_space<semaphore_mem>>) src(%arg14 : memref<80x64xf32, #tpu.memory_space<vmem>>) dst(%dma_wait3A_84 : memref<80x64xf32, #tpu.memory_space<vmem_shared>>)
      tpu.yield
    }) : () -> ()
    %mul3A_51 = arith.constant 640 : i32
    %mul3A_52 = arith.muli %arg1, %mul3A_51 : i32
    %add3A_53 = arith.constant 480 : i32
    %add3A_54 = arith.addi %mul3A_52, %add3A_53 : i32
    "tpu.region"() ({
      %run_scoped3A = tpu.sem_alloc : memref<!tpu.dma_semaphore, #tpu.memory_space<semaphore_mem>>
      %dma_start3A = arith.constant 0 : i32
      %dma_start3A_79 = tpu.memref_slice %arg16[%add3A_54, %dma_start3A] : memref<10240x64xf32, #tpu.memory_space<vmem_shared>> -> memref<80x64xf32, #tpu.memory_space<vmem_shared>>
      %dma_start3A_80 = arith.constant 0 : i32
      %dma_start3A_81 = tpu.memref_slice %arg16[%add3A_54, %dma_start3A_80] : memref<10240x64xf32, #tpu.memory_space<vmem_shared>> -> memref<80x64xf32, #tpu.memory_space<vmem_shared>>
      tpu.enqueue_dma source(%arg14 : memref<80x64xf32, #tpu.memory_space<vmem>>) target(%dma_start3A_81 : memref<80x64xf32, #tpu.memory_space<vmem_shared>>) target_semaphore(%run_scoped3A : memref<!tpu.dma_semaphore, #tpu.memory_space<semaphore_mem>>)
      %dma_wait3A = arith.constant 0 : i32
      %dma_wait3A_82 = tpu.memref_slice %arg16[%add3A_54, %dma_wait3A] : memref<10240x64xf32, #tpu.memory_space<vmem_shared>> -> memref<80x64xf32, #tpu.memory_space<vmem_shared>>
      %dma_wait3A_83 = arith.constant 0 : i32
      %dma_wait3A_84 = tpu.memref_slice %arg16[%add3A_54, %dma_wait3A_83] : memref<10240x64xf32, #tpu.memory_space<vmem_shared>> -> memref<80x64xf32, #tpu.memory_space<vmem_shared>>
      tpu.wait_dma2 semaphore(%run_scoped3A : memref<!tpu.dma_semaphore, #tpu.memory_space<semaphore_mem>>) src(%arg14 : memref<80x64xf32, #tpu.memory_space<vmem>>) dst(%dma_wait3A_84 : memref<80x64xf32, #tpu.memory_space<vmem_shared>>)
      tpu.yield
    }) : () -> ()
    %mul3A_55 = arith.constant 640 : i32
    %mul3A_56 = arith.muli %arg1, %mul3A_55 : i32
    %add3A_57 = arith.constant 560 : i32
    %add3A_58 = arith.addi %mul3A_56, %add3A_57 : i32
    "tpu.region"() ({
      %run_scoped3A = tpu.sem_alloc : memref<!tpu.dma_semaphore, #tpu.memory_space<semaphore_mem>>
      %dma_start3A = arith.constant 0 : i32
      %dma_start3A_79 = tpu.memref_slice %arg16[%add3A_58, %dma_start3A] : memref<10240x64xf32, #tpu.memory_space<vmem_shared>> -> memref<80x64xf32, #tpu.memory_space<vmem_shared>>
      %dma_start3A_80 = arith.constant 0 : i32
      %dma_start3A_81 = tpu.memref_slice %arg16[%add3A_58, %dma_start3A_80] : memref<10240x64xf32, #tpu.memory_space<vmem_shared>> -> memref<80x64xf32, #tpu.memory_space<vmem_shared>>
      tpu.enqueue_dma source(%arg14 : memref<80x64xf32, #tpu.memory_space<vmem>>) target(%dma_start3A_81 : memref<80x64xf32, #tpu.memory_space<vmem_shared>>) target_semaphore(%run_scoped3A : memref<!tpu.dma_semaphore, #tpu.memory_space<semaphore_mem>>)
      %dma_wait3A = arith.constant 0 : i32
      %dma_wait3A_82 = tpu.memref_slice %arg16[%add3A_58, %dma_wait3A] : memref<10240x64xf32, #tpu.memory_space<vmem_shared>> -> memref<80x64xf32, #tpu.memory_space<vmem_shared>>
      %dma_wait3A_83 = arith.constant 0 : i32
      %dma_wait3A_84 = tpu.memref_slice %arg16[%add3A_58, %dma_wait3A_83] : memref<10240x64xf32, #tpu.memory_space<vmem_shared>> -> memref<80x64xf32, #tpu.memory_space<vmem_shared>>
      tpu.wait_dma2 semaphore(%run_scoped3A : memref<!tpu.dma_semaphore, #tpu.memory_space<semaphore_mem>>) src(%arg14 : memref<80x64xf32, #tpu.memory_space<vmem>>) dst(%dma_wait3A_84 : memref<80x64xf32, #tpu.memory_space<vmem_shared>>)
      tpu.yield
    }) : () -> ()
    %barrier3A = arith.constant 0 : index
    tpu.barrier barrier_id(%barrier3A)
    %scan3A_59 = arith.constant 0 : i32
    %scan3A_60 = arith.constant 0 : i32
    %scan3A_61 = arith.constant 250 : i32
    %scan3A_62 = arith.addi %scan3A_60, %scan3A_61 : i32
    %scan3A_63 = arith.constant 1 : i32
    %scan3A_64 = scf.for %scan3A_79 = %scan3A_60 to %scan3A_62 step %scan3A_63 iter_args(%scan3A_80 = %scan3A_59) -> (i32)  : i32 {
      %mul3A_81 = arith.constant 80 : i32
      %mul3A_82 = arith.muli %scan3A_79, %mul3A_81 : i32
      %dma_start3A = tpu.memref_slice %arg12[%mul3A_82] : memref<20000xi32, #tpu.memory_space<vmem>> -> memref<80xi32, #tpu.memory_space<vmem>>
      %dma_start3A_83 = arith.constant 0 : i32
      %dma_start3A_84 = arith.constant 0 : i32
      %dma_start3A_85 = tpu.memref_slice %arg6[%dma_start3A_83, %dma_start3A_84] : memref<20000x64xf32, #tpu.memory_space<hbm>> -> memref<20000x64xf32, #tpu.memory_space<hbm>>
      tpu.enqueue_indirect_dma source(%dma_start3A_85 : memref<20000x64xf32, #tpu.memory_space<hbm>>) target(%arg14 : memref<80x64xf32, #tpu.memory_space<vmem>>) offsets(%dma_start3A : memref<80xi32, #tpu.memory_space<vmem>>) semaphore(%arg17 : memref<!tpu.dma_semaphore, #tpu.memory_space<semaphore_mem>>)
      %dma_wait3A = tpu.memref_slice %arg12[%mul3A_82] : memref<20000xi32, #tpu.memory_space<vmem>> -> memref<80xi32, #tpu.memory_space<vmem>>
      %dma_wait3A_86 = arith.constant 0 : i32
      %dma_wait3A_87 = arith.constant 0 : i32
      %dma_wait3A_88 = tpu.memref_slice %arg6[%dma_wait3A_86, %dma_wait3A_87] : memref<20000x64xf32, #tpu.memory_space<hbm>> -> memref<20000x64xf32, #tpu.memory_space<hbm>>
      tpu.wait_indirect_dma semaphore(%arg17 : memref<!tpu.dma_semaphore, #tpu.memory_space<semaphore_mem>>) src(%dma_wait3A_88 : memref<20000x64xf32, #tpu.memory_space<hbm>>) dst(%arg14 : memref<80x64xf32, #tpu.memory_space<vmem>>)
      %scan3A_89 = arith.constant 0 : i32
      %scan3A_90 = arith.constant 0 : i32
      %scan3A_91 = arith.constant 5 : i32
      %scan3A_92 = arith.addi %scan3A_90, %scan3A_91 : i32
      %scan3A_93 = arith.constant 1 : i32
      %scan3A_94 = scf.for %scan3A_106 = %scan3A_90 to %scan3A_92 step %scan3A_93 iter_args(%scan3A_107 = %scan3A_89) -> (i32)  : i32 {
        %mul3A_108 = arith.constant 80 : i32
        %mul3A_109 = arith.muli %scan3A_79, %mul3A_108 : i32
        %mul3A_110 = arith.constant 16 : i32
        %mul3A_111 = arith.muli %scan3A_106, %mul3A_110 : i32
        %add3A_112 = arith.addi %mul3A_109, %mul3A_111 : i32
        %add3A_113 = vector.broadcast %add3A_112 : i32 to vector<16xi32>
        %add3A_114 = arith.addi %add3A_113, %iota3A : vector<16xi32>
        %gather3A = tpu.vector_load_idx %arg12[%add3A_114] : memref<20000xi32, #tpu.memory_space<vmem>>[vector<16xi32>], vector<16xi32>,
        %sub3A = vector.broadcast %mul3A_3 : i32 to vector<16xi32>
        %sub3A_115 = arith.subi %gather3A, %sub3A : vector<16xi32>
        %add3A_116 = vector.broadcast %add3A_112 : i32 to vector<16xi32>
        %add3A_117 = arith.addi %add3A_116, %iota3A : vector<16xi32>
        %gather3A_118 = tpu.vector_load_idx %arg13[%add3A_117] : memref<20000xi32, #tpu.memory_space<vmem>>[vector<16xi32>], vector<16xi32>,
        %gather3A_119 = tpu.vector_load_idx %arg9[%sub3A_115] : memref<10000xf32, #tpu.memory_space<vmem>>[vector<16xi32>], vector<16xf32>,
        %gather3A_120 = tpu.vector_load_idx %arg10[%gather3A_118] : memref<10000xf32, #tpu.memory_space<vmem>>[vector<16xi32>], vector<16xf32>,
        %add3A_121 = arith.addf %gather3A_119, %gather3A_120 : vector<16xf32>
        %ge3A = arith.constant 0.000000e+00 : f32
        %ge3A_122 = vector.broadcast %ge3A : f32 to vector<16xf32>
        %ge3A_123 = arith.cmpf oge, %add3A_121, %ge3A_122 : vector<16xf32>
        %mul3A_124 = arith.constant 2.000000e-01 : f32
        %mul3A_125 = vector.broadcast %mul3A_124 : f32 to vector<16xf32>
        %mul3A_126 = arith.mulf %add3A_121, %mul3A_125 : vector<16xf32>
        %select_n3A = arith.select %ge3A_123, %add3A_121, %mul3A_126 : vector<16xi1>, vector<16xf32>
        %exp3A = math.exp %select_n3A : vector<16xf32>
        tpu.vector_store_idx %arg11[%gather3A_118], %exp3A {add = true} : memref<10240xf32, #tpu.memory_space<vmem>>[vector<16xi32>], vector<16xf32>,
        %mul3A_127 = arith.constant 16 : i32
        %mul3A_128 = arith.muli %scan3A_106, %mul3A_127 : i32
        %add3A_129 = vector.broadcast %mul3A_128 : i32 to vector<16xi32>
        %add3A_130 = arith.addi %add3A_129, %iota3A : vector<16xi32>
        tpu.vector_store_idx %arg15[%add3A_130], %exp3A : memref<80xf32, #tpu.memory_space<vmem>>[vector<16xi32>], vector<16xf32>,
        %scan3A_131 = arith.constant 0 : i32
        scf.yield %scan3A_131 : i32
      }
      %scan3A_95 = arith.constant 5 : i32
      %scan3A_96 = arith.constant 0 : i32
      %scan3A_97 = arith.constant 0 : i32
      %scan3A_98 = arith.constant 80 : i32
      %scan3A_99 = arith.addi %scan3A_97, %scan3A_98 : i32
      %scan3A_100 = arith.constant 1 : i32
      %scan3A_101 = scf.for %scan3A_106 = %scan3A_97 to %scan3A_99 step %scan3A_100 iter_args(%scan3A_107 = %scan3A_96) -> (i32)  : i32 {
        %broadcast_in_dim3A_108 = arith.constant 0 : i32
        %broadcast_in_dim3A_109 = vector.broadcast %broadcast_in_dim3A_108 : i32 to vector<16xi32>
        %add3A_110 = vector.broadcast %scan3A_106 : i32 to vector<16xi32>
        %add3A_111 = arith.addi %broadcast_in_dim3A_109, %add3A_110 : vector<16xi32>
        %gather3A = tpu.vector_load_idx %arg15[%add3A_111] : memref<80xf32, #tpu.memory_space<vmem>>[vector<16xi32>], vector<16xf32>,
        %add3A_112 = arith.constant 0 : i32
        %add3A_113 = vector.broadcast %add3A_112 : i32 to vector<16xi32>
        %add3A_114 = arith.addi %iota3A, %add3A_113 : vector<16xi32>
        %broadcast_in_dim3A_115 = arith.constant 0 : i32
        %broadcast_in_dim3A_116 = vector.broadcast %broadcast_in_dim3A_115 : i32 to vector<16xi32>
        %add3A_117 = vector.broadcast %scan3A_106 : i32 to vector<16xi32>
        %add3A_118 = arith.addi %broadcast_in_dim3A_116, %add3A_117 : vector<16xi32>
        %gather3A_119 = tpu.vector_load_idx %arg14[%add3A_118, %add3A_114] : memref<80x64xf32, #tpu.memory_space<vmem>>[vector<16xi32>, vector<16xi32>], vector<16xf32>,
        %mul3A_120 = arith.mulf %gather3A_119, %gather3A : vector<16xf32>
        tpu.vector_store_idx %arg14[%add3A_118, %add3A_114], %mul3A_120 : memref<80x64xf32, #tpu.memory_space<vmem>>[vector<16xi32>, vector<16xi32>], vector<16xf32>,
        %add3A_121 = arith.constant 16 : i32
        %add3A_122 = vector.broadcast %add3A_121 : i32 to vector<16xi32>
        %add3A_123 = arith.addi %iota3A, %add3A_122 : vector<16xi32>
        %broadcast_in_dim3A_124 = arith.constant 0 : i32
        %broadcast_in_dim3A_125 = vector.broadcast %broadcast_in_dim3A_124 : i32 to vector<16xi32>
        %add3A_126 = vector.broadcast %scan3A_106 : i32 to vector<16xi32>
        %add3A_127 = arith.addi %broadcast_in_dim3A_125, %add3A_126 : vector<16xi32>
        %gather3A_128 = tpu.vector_load_idx %arg14[%add3A_127, %add3A_123] : memref<80x64xf32, #tpu.memory_space<vmem>>[vector<16xi32>, vector<16xi32>], vector<16xf32>,
        %mul3A_129 = arith.mulf %gather3A_128, %gather3A : vector<16xf32>
        tpu.vector_store_idx %arg14[%add3A_127, %add3A_123], %mul3A_129 : memref<80x64xf32, #tpu.memory_space<vmem>>[vector<16xi32>, vector<16xi32>], vector<16xf32>,
        %add3A_130 = arith.constant 32 : i32
        %add3A_131 = vector.broadcast %add3A_130 : i32 to vector<16xi32>
        %add3A_132 = arith.addi %iota3A, %add3A_131 : vector<16xi32>
        %broadcast_in_dim3A_133 = arith.constant 0 : i32
        %broadcast_in_dim3A_134 = vector.broadcast %broadcast_in_dim3A_133 : i32 to vector<16xi32>
        %add3A_135 = vector.broadcast %scan3A_106 : i32 to vector<16xi32>
        %add3A_136 = arith.addi %broadcast_in_dim3A_134, %add3A_135 : vector<16xi32>
        %gather3A_137 = tpu.vector_load_idx %arg14[%add3A_136, %add3A_132] : memref<80x64xf32, #tpu.memory_space<vmem>>[vector<16xi32>, vector<16xi32>], vector<16xf32>,
        %mul3A_138 = arith.mulf %gather3A_137, %gather3A : vector<16xf32>
        tpu.vector_store_idx %arg14[%add3A_136, %add3A_132], %mul3A_138 : memref<80x64xf32, #tpu.memory_space<vmem>>[vector<16xi32>, vector<16xi32>], vector<16xf32>,
        %add3A_139 = arith.constant 48 : i32
        %add3A_140 = vector.broadcast %add3A_139 : i32 to vector<16xi32>
        %add3A_141 = arith.addi %iota3A, %add3A_140 : vector<16xi32>
        %broadcast_in_dim3A_142 = arith.constant 0 : i32
        %broadcast_in_dim3A_143 = vector.broadcast %broadcast_in_dim3A_142 : i32 to vector<16xi32>
        %add3A_144 = vector.broadcast %scan3A_106 : i32 to vector<16xi32>
        %add3A_145 = arith.addi %broadcast_in_dim3A_143, %add3A_144 : vector<16xi32>
        %gather3A_146 = tpu.vector_load_idx %arg14[%add3A_145, %add3A_141] : memref<80x64xf32, #tpu.memory_space<vmem>>[vector<16xi32>, vector<16xi32>], vector<16xf32>,
        %mul3A_147 = arith.mulf %gather3A_146, %gather3A : vector<16xf32>
        tpu.vector_store_idx %arg14[%add3A_145, %add3A_141], %mul3A_147 : memref<80x64xf32, #tpu.memory_space<vmem>>[vector<16xi32>, vector<16xi32>], vector<16xf32>,
        %scan3A_148 = arith.constant 0 : i32
        scf.yield %scan3A_148 : i32
      }
      %scan3A_102 = arith.constant 80 : i32
      %mul3A_103 = arith.constant 80 : i32
      %mul3A_104 = arith.muli %scan3A_79, %mul3A_103 : i32
      "tpu.region"() ({
        %run_scoped3A = tpu.sem_alloc : memref<!tpu.dma_semaphore, #tpu.memory_space<semaphore_mem>>
        %dma_start3A_106 = tpu.memref_slice %arg13[%mul3A_104] : memref<20000xi32, #tpu.memory_space<vmem>> -> memref<80xi32, #tpu.memory_space<vmem>>
        %dma_start3A_107 = arith.constant 0 : i32
        %dma_start3A_108 = arith.constant 0 : i32
        %dma_start3A_109 = tpu.memref_slice %arg16[%dma_start3A_107, %dma_start3A_108] : memref<10240x64xf32, #tpu.memory_space<vmem_shared>> -> memref<10240x64xf32, #tpu.memory_space<vmem_shared>>
        tpu.enqueue_indirect_dma source(%arg14 : memref<80x64xf32, #tpu.memory_space<vmem>>) target(%dma_start3A_109 : memref<10240x64xf32, #tpu.memory_space<vmem_shared>>) offsets(%dma_start3A_106 : memref<80xi32, #tpu.memory_space<vmem>>) semaphore(%run_scoped3A : memref<!tpu.dma_semaphore, #tpu.memory_space<semaphore_mem>>) {add = true}
        %dma_wait3A_110 = tpu.memref_slice %arg13[%mul3A_104] : memref<20000xi32, #tpu.memory_space<vmem>> -> memref<80xi32, #tpu.memory_space<vmem>>
        %dma_wait3A_111 = arith.constant 0 : i32
        %dma_wait3A_112 = arith.constant 0 : i32
        %dma_wait3A_113 = tpu.memref_slice %arg16[%dma_wait3A_111, %dma_wait3A_112] : memref<10240x64xf32, #tpu.memory_space<vmem_shared>> -> memref<10240x64xf32, #tpu.memory_space<vmem_shared>>
        tpu.wait_indirect_dma semaphore(%run_scoped3A : memref<!tpu.dma_semaphore, #tpu.memory_space<semaphore_mem>>) src(%arg14 : memref<80x64xf32, #tpu.memory_space<vmem>>) dst(%dma_wait3A_113 : memref<10240x64xf32, #tpu.memory_space<vmem_shared>>)
        tpu.yield
      }) : () -> ()
      %scan3A_105 = arith.constant 0 : i32
      scf.yield %scan3A_105 : i32
    }
    %scan3A_65 = arith.constant 250 : i32
    %mul3A_66 = arith.constant 16 : i32
    %mul3A_67 = arith.muli %arg0, %mul3A_66 : i32
    %add3A_68 = arith.addi %mul3A_67, %arg1 : i32
    %mul3A_69 = arith.constant 10240 : i32
    %mul3A_70 = arith.muli %add3A_68, %mul3A_69 : i32
    "tpu.region"() ({
      %run_scoped3A = tpu.sem_alloc : memref<!tpu.dma_semaphore, #tpu.memory_space<semaphore_mem>>
      %dma_start3A = tpu.memref_slice %arg8[%mul3A_70] : memref<327680xf32, #tpu.memory_space<hbm>> -> memref<10240xf32, #tpu.memory_space<hbm>>
      %dma_start3A_79 = tpu.memref_slice %arg8[%mul3A_70] : memref<327680xf32, #tpu.memory_space<hbm>> -> memref<10240xf32, #tpu.memory_space<hbm>>
      tpu.enqueue_dma source(%arg11 : memref<10240xf32, #tpu.memory_space<vmem>>) target(%dma_start3A_79 : memref<10240xf32, #tpu.memory_space<hbm>>) target_semaphore(%run_scoped3A : memref<!tpu.dma_semaphore, #tpu.memory_space<semaphore_mem>>)
      %dma_wait3A = tpu.memref_slice %arg8[%mul3A_70] : memref<327680xf32, #tpu.memory_space<hbm>> -> memref<10240xf32, #tpu.memory_space<hbm>>
      %dma_wait3A_80 = tpu.memref_slice %arg8[%mul3A_70] : memref<327680xf32, #tpu.memory_space<hbm>> -> memref<10240xf32, #tpu.memory_space<hbm>>
      tpu.wait_dma2 semaphore(%run_scoped3A : memref<!tpu.dma_semaphore, #tpu.memory_space<semaphore_mem>>) src(%arg11 : memref<10240xf32, #tpu.memory_space<vmem>>) dst(%dma_wait3A_80 : memref<10240xf32, #tpu.memory_space<hbm>>)
      tpu.yield
    }) : () -> ()
    %barrier3A_71 = arith.constant 0 : index
    tpu.barrier barrier_id(%barrier3A_71)
    %mul3A_72 = arith.constant 640 : i32
    %mul3A_73 = arith.muli %arg1, %mul3A_72 : i32
    %mul3A_74 = arith.constant 10240 : i32
    %mul3A_75 = arith.muli %arg0, %mul3A_74 : i32
    %mul3A_76 = arith.constant 640 : i32
    %mul3A_77 = arith.muli %arg1, %mul3A_76 : i32
    %add3A_78 = arith.addi %mul3A_75, %mul3A_77 : i32
    "tpu.region"() ({
      %run_scoped3A = tpu.sem_alloc : memref<!tpu.dma_semaphore, #tpu.memory_space<semaphore_mem>>
      %dma_start3A = arith.constant 0 : i32
      %dma_start3A_79 = tpu.memref_slice %arg7[%add3A_78, %dma_start3A] : memref<20480x64xf32, #tpu.memory_space<hbm>> -> memref<640x64xf32, #tpu.memory_space<hbm>>
      %dma_start3A_80 = arith.constant 0 : i32
      %dma_start3A_81 = tpu.memref_slice %arg16[%mul3A_73, %dma_start3A_80] : memref<10240x64xf32, #tpu.memory_space<vmem_shared>> -> memref<640x64xf32, #tpu.memory_space<vmem_shared>>
      tpu.enqueue_dma source(%dma_start3A_81 : memref<640x64xf32, #tpu.memory_space<vmem_shared>>) target(%dma_start3A_79 : memref<640x64xf32, #tpu.memory_space<hbm>>) target_semaphore(%run_scoped3A : memref<!tpu.dma_semaphore, #tpu.memory_space<semaphore_mem>>)
      %dma_wait3A = arith.constant 0 : i32
      %dma_wait3A_82 = tpu.memref_slice %arg7[%add3A_78, %dma_wait3A] : memref<20480x64xf32, #tpu.memory_space<hbm>> -> memref<640x64xf32, #tpu.memory_space<hbm>>
      %dma_wait3A_83 = arith.constant 0 : i32
      %dma_wait3A_84 = tpu.memref_slice %arg16[%mul3A_73, %dma_wait3A_83] : memref<10240x64xf32, #tpu.memory_space<vmem_shared>> -> memref<640x64xf32, #tpu.memory_space<vmem_shared>>
      tpu.wait_dma2 semaphore(%run_scoped3A : memref<!tpu.dma_semaphore, #tpu.memory_space<semaphore_mem>>) src(%dma_wait3A_84 : memref<640x64xf32, #tpu.memory_space<vmem_shared>>) dst(%dma_wait3A_82 : memref<640x64xf32, #tpu.memory_space<hbm>>)
      tpu.yield
    }) : () -> ()
    return
  }
}

#map = affine_map<(d0, d1) -> (0)>
#map1 = affine_map<(d0, d1) -> (0, 0)>
module attributes {stable_mosaic.version = 14 : i64} {
  func.func @k(%arg0: i32, %arg1: i32, %arg2: memref<320000xi32, #tpu.memory_space<hbm>>, %arg3: memref<320000xi32, #tpu.memory_space<hbm>>, %arg4: memref<10240xf32, #tpu.memory_space<hbm>>, %arg5: memref<10240xf32, #tpu.memory_space<hbm>>, %arg6: memref<10240x48xf32, #tpu.memory_space<hbm>>, %arg7: memref<20480x48xf32, #tpu.memory_space<hbm>>, %arg8: memref<327680xf32, #tpu.memory_space<hbm>>, %arg9: memref<10240xf32, #tpu.memory_space<vmem>>, %arg10: memref<10240xf32, #tpu.memory_space<vmem>>, %arg11: memref<10240xf32, #tpu.memory_space<vmem>>, %arg12: memref<10000xi32, #tpu.memory_space<vmem>>, %arg13: memref<10000xi32, #tpu.memory_space<vmem>>, %arg14: memref<80x48xf32, #tpu.memory_space<vmem>>, %arg15: memref<80xf32, #tpu.memory_space<vmem>>, %arg16: memref<10240x48xf32, #tpu.memory_space<vmem_shared>>, %arg17: memref<!tpu.dma_semaphore, #tpu.memory_space<semaphore_mem>>) attributes {dimension_semantics = [#tpu.dimension_semantics<core_parallel>, #tpu.dimension_semantics<subcore_parallel>], iteration_bounds = array<i64: 2, 16>, scalar_prefetch = 0 : i64, scratch_operands = 9 : i64, tpu.core_type = #tpu.core_type<sc_vector_subcore>, window_params = [{transform_indices = #map}, {transform_indices = #map}, {transform_indices = #map}, {transform_indices = #map}, {transform_indices = #map1}, {transform_indices = #map1}, {transform_indices = #map}]} {
    %iota3A = tpu.iota {dimensions = array<i32: 0>} : vector<16xi32>
    %broadcast_in_dim3A = arith.constant 0.000000e+00 : f32
    %broadcast_in_dim3A_0 = vector.broadcast %broadcast_in_dim3A : f32 to vector<16xf32>
    %mul3A = arith.constant 16 : i32
    %mul3A_1 = arith.muli %arg0, %mul3A : i32
    %add3A = arith.addi %mul3A_1, %arg1 : i32
    "tpu.region"() ({
      %run_scoped3A = tpu.sem_alloc : memref<!tpu.dma_semaphore, #tpu.memory_space<semaphore_mem>>
      %dma_start3A = arith.constant 0 : i32
      %dma_start3A_71 = tpu.memref_slice %arg4[%dma_start3A] : memref<10240xf32, #tpu.memory_space<hbm>> -> memref<10240xf32, #tpu.memory_space<hbm>>
      %dma_start3A_72 = arith.constant 0 : i32
      %dma_start3A_73 = tpu.memref_slice %arg4[%dma_start3A_72] : memref<10240xf32, #tpu.memory_space<hbm>> -> memref<10240xf32, #tpu.memory_space<hbm>>
      tpu.enqueue_dma source(%dma_start3A_73 : memref<10240xf32, #tpu.memory_space<hbm>>) target(%arg9 : memref<10240xf32, #tpu.memory_space<vmem>>) target_semaphore(%run_scoped3A : memref<!tpu.dma_semaphore, #tpu.memory_space<semaphore_mem>>)
      %dma_wait3A = arith.constant 0 : i32
      %dma_wait3A_74 = tpu.memref_slice %arg4[%dma_wait3A] : memref<10240xf32, #tpu.memory_space<hbm>> -> memref<10240xf32, #tpu.memory_space<hbm>>
      %dma_wait3A_75 = arith.constant 0 : i32
      %dma_wait3A_76 = tpu.memref_slice %arg4[%dma_wait3A_75] : memref<10240xf32, #tpu.memory_space<hbm>> -> memref<10240xf32, #tpu.memory_space<hbm>>
      tpu.wait_dma2 semaphore(%run_scoped3A : memref<!tpu.dma_semaphore, #tpu.memory_space<semaphore_mem>>) src(%dma_wait3A_76 : memref<10240xf32, #tpu.memory_space<hbm>>) dst(%arg9 : memref<10240xf32, #tpu.memory_space<vmem>>)
      tpu.yield
    }) : () -> ()
    "tpu.region"() ({
      %run_scoped3A = tpu.sem_alloc : memref<!tpu.dma_semaphore, #tpu.memory_space<semaphore_mem>>
      %dma_start3A = arith.constant 0 : i32
      %dma_start3A_71 = tpu.memref_slice %arg5[%dma_start3A] : memref<10240xf32, #tpu.memory_space<hbm>> -> memref<10240xf32, #tpu.memory_space<hbm>>
      %dma_start3A_72 = arith.constant 0 : i32
      %dma_start3A_73 = tpu.memref_slice %arg5[%dma_start3A_72] : memref<10240xf32, #tpu.memory_space<hbm>> -> memref<10240xf32, #tpu.memory_space<hbm>>
      tpu.enqueue_dma source(%dma_start3A_73 : memref<10240xf32, #tpu.memory_space<hbm>>) target(%arg10 : memref<10240xf32, #tpu.memory_space<vmem>>) target_semaphore(%run_scoped3A : memref<!tpu.dma_semaphore, #tpu.memory_space<semaphore_mem>>)
      %dma_wait3A = arith.constant 0 : i32
      %dma_wait3A_74 = tpu.memref_slice %arg5[%dma_wait3A] : memref<10240xf32, #tpu.memory_space<hbm>> -> memref<10240xf32, #tpu.memory_space<hbm>>
      %dma_wait3A_75 = arith.constant 0 : i32
      %dma_wait3A_76 = tpu.memref_slice %arg5[%dma_wait3A_75] : memref<10240xf32, #tpu.memory_space<hbm>> -> memref<10240xf32, #tpu.memory_space<hbm>>
      tpu.wait_dma2 semaphore(%run_scoped3A : memref<!tpu.dma_semaphore, #tpu.memory_space<semaphore_mem>>) src(%dma_wait3A_76 : memref<10240xf32, #tpu.memory_space<hbm>>) dst(%arg10 : memref<10240xf32, #tpu.memory_space<vmem>>)
      tpu.yield
    }) : () -> ()
    %mul3A_2 = arith.constant 10000 : i32
    %mul3A_3 = arith.muli %add3A, %mul3A_2 : i32
    "tpu.region"() ({
      %run_scoped3A = tpu.sem_alloc : memref<!tpu.dma_semaphore, #tpu.memory_space<semaphore_mem>>
      %dma_start3A = tpu.memref_slice %arg2[%mul3A_3] : memref<320000xi32, #tpu.memory_space<hbm>> -> memref<10000xi32, #tpu.memory_space<hbm>>
      %dma_start3A_71 = tpu.memref_slice %arg2[%mul3A_3] : memref<320000xi32, #tpu.memory_space<hbm>> -> memref<10000xi32, #tpu.memory_space<hbm>>
      tpu.enqueue_dma source(%dma_start3A_71 : memref<10000xi32, #tpu.memory_space<hbm>>) target(%arg12 : memref<10000xi32, #tpu.memory_space<vmem>>) target_semaphore(%run_scoped3A : memref<!tpu.dma_semaphore, #tpu.memory_space<semaphore_mem>>)
      %dma_wait3A = tpu.memref_slice %arg2[%mul3A_3] : memref<320000xi32, #tpu.memory_space<hbm>> -> memref<10000xi32, #tpu.memory_space<hbm>>
      %dma_wait3A_72 = tpu.memref_slice %arg2[%mul3A_3] : memref<320000xi32, #tpu.memory_space<hbm>> -> memref<10000xi32, #tpu.memory_space<hbm>>
      tpu.wait_dma2 semaphore(%run_scoped3A : memref<!tpu.dma_semaphore, #tpu.memory_space<semaphore_mem>>) src(%dma_wait3A_72 : memref<10000xi32, #tpu.memory_space<hbm>>) dst(%arg12 : memref<10000xi32, #tpu.memory_space<vmem>>)
      tpu.yield
    }) : () -> ()
    %mul3A_4 = arith.constant 10000 : i32
    %mul3A_5 = arith.muli %add3A, %mul3A_4 : i32
    "tpu.region"() ({
      %run_scoped3A = tpu.sem_alloc : memref<!tpu.dma_semaphore, #tpu.memory_space<semaphore_mem>>
      %dma_start3A = tpu.memref_slice %arg3[%mul3A_5] : memref<320000xi32, #tpu.memory_space<hbm>> -> memref<10000xi32, #tpu.memory_space<hbm>>
      %dma_start3A_71 = tpu.memref_slice %arg3[%mul3A_5] : memref<320000xi32, #tpu.memory_space<hbm>> -> memref<10000xi32, #tpu.memory_space<hbm>>
      tpu.enqueue_dma source(%dma_start3A_71 : memref<10000xi32, #tpu.memory_space<hbm>>) target(%arg13 : memref<10000xi32, #tpu.memory_space<vmem>>) target_semaphore(%run_scoped3A : memref<!tpu.dma_semaphore, #tpu.memory_space<semaphore_mem>>)
      %dma_wait3A = tpu.memref_slice %arg3[%mul3A_5] : memref<320000xi32, #tpu.memory_space<hbm>> -> memref<10000xi32, #tpu.memory_space<hbm>>
      %dma_wait3A_72 = tpu.memref_slice %arg3[%mul3A_5] : memref<320000xi32, #tpu.memory_space<hbm>> -> memref<10000xi32, #tpu.memory_space<hbm>>
      tpu.wait_dma2 semaphore(%run_scoped3A : memref<!tpu.dma_semaphore, #tpu.memory_space<semaphore_mem>>) src(%dma_wait3A_72 : memref<10000xi32, #tpu.memory_space<hbm>>) dst(%arg13 : memref<10000xi32, #tpu.memory_space<vmem>>)
      tpu.yield
    }) : () -> ()
    %scan3A = arith.constant 0 : i32
    %scan3A_6 = arith.constant 0 : i32
    %scan3A_7 = arith.constant 640 : i32
    %scan3A_8 = arith.addi %scan3A_6, %scan3A_7 : i32
    %scan3A_9 = arith.constant 1 : i32
    %scan3A_10 = scf.for %scan3A_71 = %scan3A_6 to %scan3A_8 step %scan3A_9 iter_args(%scan3A_72 = %scan3A) -> (i32)  : i32 {
      %mul3A_73 = arith.constant 16 : i32
      %mul3A_74 = arith.muli %scan3A_71, %mul3A_73 : i32
      %add3A_75 = vector.broadcast %mul3A_74 : i32 to vector<16xi32>
      %add3A_76 = arith.addi %add3A_75, %iota3A : vector<16xi32>
      tpu.vector_store_idx %arg11[%add3A_76], %broadcast_in_dim3A_0 : memref<10240xf32, #tpu.memory_space<vmem>>[vector<16xi32>], vector<16xf32>,
      %scan3A_77 = arith.constant 0 : i32
      scf.yield %scan3A_77 : i32
    }
    %scan3A_11 = arith.constant 640 : i32
    %scan3A_12 = arith.constant 0 : i32
    %scan3A_13 = arith.constant 0 : i32
    %scan3A_14 = arith.constant 80 : i32
    %scan3A_15 = arith.addi %scan3A_13, %scan3A_14 : i32
    %scan3A_16 = arith.constant 1 : i32
    %scan3A_17 = scf.for %scan3A_71 = %scan3A_13 to %scan3A_15 step %scan3A_16 iter_args(%scan3A_72 = %scan3A_12) -> (i32)  : i32 {
      %broadcast_in_dim3A_73 = arith.constant 0 : i32
      %broadcast_in_dim3A_74 = vector.broadcast %broadcast_in_dim3A_73 : i32 to vector<16xi32>
      %add3A_75 = vector.broadcast %scan3A_71 : i32 to vector<16xi32>
      %add3A_76 = arith.addi %broadcast_in_dim3A_74, %add3A_75 : vector<16xi32>
      %add3A_77 = arith.constant 0 : i32
      %add3A_78 = vector.broadcast %add3A_77 : i32 to vector<16xi32>
      %add3A_79 = arith.addi %iota3A, %add3A_78 : vector<16xi32>
      tpu.vector_store_idx %arg14[%add3A_76, %add3A_79], %broadcast_in_dim3A_0 : memref<80x48xf32, #tpu.memory_space<vmem>>[vector<16xi32>, vector<16xi32>], vector<16xf32>,
      %broadcast_in_dim3A_80 = arith.constant 0 : i32
      %broadcast_in_dim3A_81 = vector.broadcast %broadcast_in_dim3A_80 : i32 to vector<16xi32>
      %add3A_82 = vector.broadcast %scan3A_71 : i32 to vector<16xi32>
      %add3A_83 = arith.addi %broadcast_in_dim3A_81, %add3A_82 : vector<16xi32>
      %add3A_84 = arith.constant 16 : i32
      %add3A_85 = vector.broadcast %add3A_84 : i32 to vector<16xi32>
      %add3A_86 = arith.addi %iota3A, %add3A_85 : vector<16xi32>
      tpu.vector_store_idx %arg14[%add3A_83, %add3A_86], %broadcast_in_dim3A_0 : memref<80x48xf32, #tpu.memory_space<vmem>>[vector<16xi32>, vector<16xi32>], vector<16xf32>,
      %broadcast_in_dim3A_87 = arith.constant 0 : i32
      %broadcast_in_dim3A_88 = vector.broadcast %broadcast_in_dim3A_87 : i32 to vector<16xi32>
      %add3A_89 = vector.broadcast %scan3A_71 : i32 to vector<16xi32>
      %add3A_90 = arith.addi %broadcast_in_dim3A_88, %add3A_89 : vector<16xi32>
      %add3A_91 = arith.constant 32 : i32
      %add3A_92 = vector.broadcast %add3A_91 : i32 to vector<16xi32>
      %add3A_93 = arith.addi %iota3A, %add3A_92 : vector<16xi32>
      tpu.vector_store_idx %arg14[%add3A_90, %add3A_93], %broadcast_in_dim3A_0 : memref<80x48xf32, #tpu.memory_space<vmem>>[vector<16xi32>, vector<16xi32>], vector<16xf32>,
      %scan3A_94 = arith.constant 0 : i32
      scf.yield %scan3A_94 : i32
    }
    %scan3A_18 = arith.constant 80 : i32
    %mul3A_19 = arith.constant 640 : i32
    %mul3A_20 = arith.muli %arg1, %mul3A_19 : i32
    %add3A_21 = arith.constant 0 : i32
    %add3A_22 = arith.addi %mul3A_20, %add3A_21 : i32
    "tpu.region"() ({
      %run_scoped3A = tpu.sem_alloc : memref<!tpu.dma_semaphore, #tpu.memory_space<semaphore_mem>>
      %dma_start3A = arith.constant 0 : i32
      %dma_start3A_71 = tpu.memref_slice %arg16[%add3A_22, %dma_start3A] : memref<10240x48xf32, #tpu.memory_space<vmem_shared>> -> memref<80x48xf32, #tpu.memory_space<vmem_shared>>
      %dma_start3A_72 = arith.constant 0 : i32
      %dma_start3A_73 = tpu.memref_slice %arg16[%add3A_22, %dma_start3A_72] : memref<10240x48xf32, #tpu.memory_space<vmem_shared>> -> memref<80x48xf32, #tpu.memory_space<vmem_shared>>
      tpu.enqueue_dma source(%arg14 : memref<80x48xf32, #tpu.memory_space<vmem>>) target(%dma_start3A_73 : memref<80x48xf32, #tpu.memory_space<vmem_shared>>) target_semaphore(%run_scoped3A : memref<!tpu.dma_semaphore, #tpu.memory_space<semaphore_mem>>)
      %dma_wait3A = arith.constant 0 : i32
      %dma_wait3A_74 = tpu.memref_slice %arg16[%add3A_22, %dma_wait3A] : memref<10240x48xf32, #tpu.memory_space<vmem_shared>> -> memref<80x48xf32, #tpu.memory_space<vmem_shared>>
      %dma_wait3A_75 = arith.constant 0 : i32
      %dma_wait3A_76 = tpu.memref_slice %arg16[%add3A_22, %dma_wait3A_75] : memref<10240x48xf32, #tpu.memory_space<vmem_shared>> -> memref<80x48xf32, #tpu.memory_space<vmem_shared>>
      tpu.wait_dma2 semaphore(%run_scoped3A : memref<!tpu.dma_semaphore, #tpu.memory_space<semaphore_mem>>) src(%arg14 : memref<80x48xf32, #tpu.memory_space<vmem>>) dst(%dma_wait3A_76 : memref<80x48xf32, #tpu.memory_space<vmem_shared>>)
      tpu.yield
    }) : () -> ()
    %mul3A_23 = arith.constant 640 : i32
    %mul3A_24 = arith.muli %arg1, %mul3A_23 : i32
    %add3A_25 = arith.constant 80 : i32
    %add3A_26 = arith.addi %mul3A_24, %add3A_25 : i32
    "tpu.region"() ({
      %run_scoped3A = tpu.sem_alloc : memref<!tpu.dma_semaphore, #tpu.memory_space<semaphore_mem>>
      %dma_start3A = arith.constant 0 : i32
      %dma_start3A_71 = tpu.memref_slice %arg16[%add3A_26, %dma_start3A] : memref<10240x48xf32, #tpu.memory_space<vmem_shared>> -> memref<80x48xf32, #tpu.memory_space<vmem_shared>>
      %dma_start3A_72 = arith.constant 0 : i32
      %dma_start3A_73 = tpu.memref_slice %arg16[%add3A_26, %dma_start3A_72] : memref<10240x48xf32, #tpu.memory_space<vmem_shared>> -> memref<80x48xf32, #tpu.memory_space<vmem_shared>>
      tpu.enqueue_dma source(%arg14 : memref<80x48xf32, #tpu.memory_space<vmem>>) target(%dma_start3A_73 : memref<80x48xf32, #tpu.memory_space<vmem_shared>>) target_semaphore(%run_scoped3A : memref<!tpu.dma_semaphore, #tpu.memory_space<semaphore_mem>>)
      %dma_wait3A = arith.constant 0 : i32
      %dma_wait3A_74 = tpu.memref_slice %arg16[%add3A_26, %dma_wait3A] : memref<10240x48xf32, #tpu.memory_space<vmem_shared>> -> memref<80x48xf32, #tpu.memory_space<vmem_shared>>
      %dma_wait3A_75 = arith.constant 0 : i32
      %dma_wait3A_76 = tpu.memref_slice %arg16[%add3A_26, %dma_wait3A_75] : memref<10240x48xf32, #tpu.memory_space<vmem_shared>> -> memref<80x48xf32, #tpu.memory_space<vmem_shared>>
      tpu.wait_dma2 semaphore(%run_scoped3A : memref<!tpu.dma_semaphore, #tpu.memory_space<semaphore_mem>>) src(%arg14 : memref<80x48xf32, #tpu.memory_space<vmem>>) dst(%dma_wait3A_76 : memref<80x48xf32, #tpu.memory_space<vmem_shared>>)
      tpu.yield
    }) : () -> ()
    %mul3A_27 = arith.constant 640 : i32
    %mul3A_28 = arith.muli %arg1, %mul3A_27 : i32
    %add3A_29 = arith.constant 160 : i32
    %add3A_30 = arith.addi %mul3A_28, %add3A_29 : i32
    "tpu.region"() ({
      %run_scoped3A = tpu.sem_alloc : memref<!tpu.dma_semaphore, #tpu.memory_space<semaphore_mem>>
      %dma_start3A = arith.constant 0 : i32
      %dma_start3A_71 = tpu.memref_slice %arg16[%add3A_30, %dma_start3A] : memref<10240x48xf32, #tpu.memory_space<vmem_shared>> -> memref<80x48xf32, #tpu.memory_space<vmem_shared>>
      %dma_start3A_72 = arith.constant 0 : i32
      %dma_start3A_73 = tpu.memref_slice %arg16[%add3A_30, %dma_start3A_72] : memref<10240x48xf32, #tpu.memory_space<vmem_shared>> -> memref<80x48xf32, #tpu.memory_space<vmem_shared>>
      tpu.enqueue_dma source(%arg14 : memref<80x48xf32, #tpu.memory_space<vmem>>) target(%dma_start3A_73 : memref<80x48xf32, #tpu.memory_space<vmem_shared>>) target_semaphore(%run_scoped3A : memref<!tpu.dma_semaphore, #tpu.memory_space<semaphore_mem>>)
      %dma_wait3A = arith.constant 0 : i32
      %dma_wait3A_74 = tpu.memref_slice %arg16[%add3A_30, %dma_wait3A] : memref<10240x48xf32, #tpu.memory_space<vmem_shared>> -> memref<80x48xf32, #tpu.memory_space<vmem_shared>>
      %dma_wait3A_75 = arith.constant 0 : i32
      %dma_wait3A_76 = tpu.memref_slice %arg16[%add3A_30, %dma_wait3A_75] : memref<10240x48xf32, #tpu.memory_space<vmem_shared>> -> memref<80x48xf32, #tpu.memory_space<vmem_shared>>
      tpu.wait_dma2 semaphore(%run_scoped3A : memref<!tpu.dma_semaphore, #tpu.memory_space<semaphore_mem>>) src(%arg14 : memref<80x48xf32, #tpu.memory_space<vmem>>) dst(%dma_wait3A_76 : memref<80x48xf32, #tpu.memory_space<vmem_shared>>)
      tpu.yield
    }) : () -> ()
    %mul3A_31 = arith.constant 640 : i32
    %mul3A_32 = arith.muli %arg1, %mul3A_31 : i32
    %add3A_33 = arith.constant 240 : i32
    %add3A_34 = arith.addi %mul3A_32, %add3A_33 : i32
    "tpu.region"() ({
      %run_scoped3A = tpu.sem_alloc : memref<!tpu.dma_semaphore, #tpu.memory_space<semaphore_mem>>
      %dma_start3A = arith.constant 0 : i32
      %dma_start3A_71 = tpu.memref_slice %arg16[%add3A_34, %dma_start3A] : memref<10240x48xf32, #tpu.memory_space<vmem_shared>> -> memref<80x48xf32, #tpu.memory_space<vmem_shared>>
      %dma_start3A_72 = arith.constant 0 : i32
      %dma_start3A_73 = tpu.memref_slice %arg16[%add3A_34, %dma_start3A_72] : memref<10240x48xf32, #tpu.memory_space<vmem_shared>> -> memref<80x48xf32, #tpu.memory_space<vmem_shared>>
      tpu.enqueue_dma source(%arg14 : memref<80x48xf32, #tpu.memory_space<vmem>>) target(%dma_start3A_73 : memref<80x48xf32, #tpu.memory_space<vmem_shared>>) target_semaphore(%run_scoped3A : memref<!tpu.dma_semaphore, #tpu.memory_space<semaphore_mem>>)
      %dma_wait3A = arith.constant 0 : i32
      %dma_wait3A_74 = tpu.memref_slice %arg16[%add3A_34, %dma_wait3A] : memref<10240x48xf32, #tpu.memory_space<vmem_shared>> -> memref<80x48xf32, #tpu.memory_space<vmem_shared>>
      %dma_wait3A_75 = arith.constant 0 : i32
      %dma_wait3A_76 = tpu.memref_slice %arg16[%add3A_34, %dma_wait3A_75] : memref<10240x48xf32, #tpu.memory_space<vmem_shared>> -> memref<80x48xf32, #tpu.memory_space<vmem_shared>>
      tpu.wait_dma2 semaphore(%run_scoped3A : memref<!tpu.dma_semaphore, #tpu.memory_space<semaphore_mem>>) src(%arg14 : memref<80x48xf32, #tpu.memory_space<vmem>>) dst(%dma_wait3A_76 : memref<80x48xf32, #tpu.memory_space<vmem_shared>>)
      tpu.yield
    }) : () -> ()
    %mul3A_35 = arith.constant 640 : i32
    %mul3A_36 = arith.muli %arg1, %mul3A_35 : i32
    %add3A_37 = arith.constant 320 : i32
    %add3A_38 = arith.addi %mul3A_36, %add3A_37 : i32
    "tpu.region"() ({
      %run_scoped3A = tpu.sem_alloc : memref<!tpu.dma_semaphore, #tpu.memory_space<semaphore_mem>>
      %dma_start3A = arith.constant 0 : i32
      %dma_start3A_71 = tpu.memref_slice %arg16[%add3A_38, %dma_start3A] : memref<10240x48xf32, #tpu.memory_space<vmem_shared>> -> memref<80x48xf32, #tpu.memory_space<vmem_shared>>
      %dma_start3A_72 = arith.constant 0 : i32
      %dma_start3A_73 = tpu.memref_slice %arg16[%add3A_38, %dma_start3A_72] : memref<10240x48xf32, #tpu.memory_space<vmem_shared>> -> memref<80x48xf32, #tpu.memory_space<vmem_shared>>
      tpu.enqueue_dma source(%arg14 : memref<80x48xf32, #tpu.memory_space<vmem>>) target(%dma_start3A_73 : memref<80x48xf32, #tpu.memory_space<vmem_shared>>) target_semaphore(%run_scoped3A : memref<!tpu.dma_semaphore, #tpu.memory_space<semaphore_mem>>)
      %dma_wait3A = arith.constant 0 : i32
      %dma_wait3A_74 = tpu.memref_slice %arg16[%add3A_38, %dma_wait3A] : memref<10240x48xf32, #tpu.memory_space<vmem_shared>> -> memref<80x48xf32, #tpu.memory_space<vmem_shared>>
      %dma_wait3A_75 = arith.constant 0 : i32
      %dma_wait3A_76 = tpu.memref_slice %arg16[%add3A_38, %dma_wait3A_75] : memref<10240x48xf32, #tpu.memory_space<vmem_shared>> -> memref<80x48xf32, #tpu.memory_space<vmem_shared>>
      tpu.wait_dma2 semaphore(%run_scoped3A : memref<!tpu.dma_semaphore, #tpu.memory_space<semaphore_mem>>) src(%arg14 : memref<80x48xf32, #tpu.memory_space<vmem>>) dst(%dma_wait3A_76 : memref<80x48xf32, #tpu.memory_space<vmem_shared>>)
      tpu.yield
    }) : () -> ()
    %mul3A_39 = arith.constant 640 : i32
    %mul3A_40 = arith.muli %arg1, %mul3A_39 : i32
    %add3A_41 = arith.constant 400 : i32
    %add3A_42 = arith.addi %mul3A_40, %add3A_41 : i32
    "tpu.region"() ({
      %run_scoped3A = tpu.sem_alloc : memref<!tpu.dma_semaphore, #tpu.memory_space<semaphore_mem>>
      %dma_start3A = arith.constant 0 : i32
      %dma_start3A_71 = tpu.memref_slice %arg16[%add3A_42, %dma_start3A] : memref<10240x48xf32, #tpu.memory_space<vmem_shared>> -> memref<80x48xf32, #tpu.memory_space<vmem_shared>>
      %dma_start3A_72 = arith.constant 0 : i32
      %dma_start3A_73 = tpu.memref_slice %arg16[%add3A_42, %dma_start3A_72] : memref<10240x48xf32, #tpu.memory_space<vmem_shared>> -> memref<80x48xf32, #tpu.memory_space<vmem_shared>>
      tpu.enqueue_dma source(%arg14 : memref<80x48xf32, #tpu.memory_space<vmem>>) target(%dma_start3A_73 : memref<80x48xf32, #tpu.memory_space<vmem_shared>>) target_semaphore(%run_scoped3A : memref<!tpu.dma_semaphore, #tpu.memory_space<semaphore_mem>>)
      %dma_wait3A = arith.constant 0 : i32
      %dma_wait3A_74 = tpu.memref_slice %arg16[%add3A_42, %dma_wait3A] : memref<10240x48xf32, #tpu.memory_space<vmem_shared>> -> memref<80x48xf32, #tpu.memory_space<vmem_shared>>
      %dma_wait3A_75 = arith.constant 0 : i32
      %dma_wait3A_76 = tpu.memref_slice %arg16[%add3A_42, %dma_wait3A_75] : memref<10240x48xf32, #tpu.memory_space<vmem_shared>> -> memref<80x48xf32, #tpu.memory_space<vmem_shared>>
      tpu.wait_dma2 semaphore(%run_scoped3A : memref<!tpu.dma_semaphore, #tpu.memory_space<semaphore_mem>>) src(%arg14 : memref<80x48xf32, #tpu.memory_space<vmem>>) dst(%dma_wait3A_76 : memref<80x48xf32, #tpu.memory_space<vmem_shared>>)
      tpu.yield
    }) : () -> ()
    %mul3A_43 = arith.constant 640 : i32
    %mul3A_44 = arith.muli %arg1, %mul3A_43 : i32
    %add3A_45 = arith.constant 480 : i32
    %add3A_46 = arith.addi %mul3A_44, %add3A_45 : i32
    "tpu.region"() ({
      %run_scoped3A = tpu.sem_alloc : memref<!tpu.dma_semaphore, #tpu.memory_space<semaphore_mem>>
      %dma_start3A = arith.constant 0 : i32
      %dma_start3A_71 = tpu.memref_slice %arg16[%add3A_46, %dma_start3A] : memref<10240x48xf32, #tpu.memory_space<vmem_shared>> -> memref<80x48xf32, #tpu.memory_space<vmem_shared>>
      %dma_start3A_72 = arith.constant 0 : i32
      %dma_start3A_73 = tpu.memref_slice %arg16[%add3A_46, %dma_start3A_72] : memref<10240x48xf32, #tpu.memory_space<vmem_shared>> -> memref<80x48xf32, #tpu.memory_space<vmem_shared>>
      tpu.enqueue_dma source(%arg14 : memref<80x48xf32, #tpu.memory_space<vmem>>) target(%dma_start3A_73 : memref<80x48xf32, #tpu.memory_space<vmem_shared>>) target_semaphore(%run_scoped3A : memref<!tpu.dma_semaphore, #tpu.memory_space<semaphore_mem>>)
      %dma_wait3A = arith.constant 0 : i32
      %dma_wait3A_74 = tpu.memref_slice %arg16[%add3A_46, %dma_wait3A] : memref<10240x48xf32, #tpu.memory_space<vmem_shared>> -> memref<80x48xf32, #tpu.memory_space<vmem_shared>>
      %dma_wait3A_75 = arith.constant 0 : i32
      %dma_wait3A_76 = tpu.memref_slice %arg16[%add3A_46, %dma_wait3A_75] : memref<10240x48xf32, #tpu.memory_space<vmem_shared>> -> memref<80x48xf32, #tpu.memory_space<vmem_shared>>
      tpu.wait_dma2 semaphore(%run_scoped3A : memref<!tpu.dma_semaphore, #tpu.memory_space<semaphore_mem>>) src(%arg14 : memref<80x48xf32, #tpu.memory_space<vmem>>) dst(%dma_wait3A_76 : memref<80x48xf32, #tpu.memory_space<vmem_shared>>)
      tpu.yield
    }) : () -> ()
    %mul3A_47 = arith.constant 640 : i32
    %mul3A_48 = arith.muli %arg1, %mul3A_47 : i32
    %add3A_49 = arith.constant 560 : i32
    %add3A_50 = arith.addi %mul3A_48, %add3A_49 : i32
    "tpu.region"() ({
      %run_scoped3A = tpu.sem_alloc : memref<!tpu.dma_semaphore, #tpu.memory_space<semaphore_mem>>
      %dma_start3A = arith.constant 0 : i32
      %dma_start3A_71 = tpu.memref_slice %arg16[%add3A_50, %dma_start3A] : memref<10240x48xf32, #tpu.memory_space<vmem_shared>> -> memref<80x48xf32, #tpu.memory_space<vmem_shared>>
      %dma_start3A_72 = arith.constant 0 : i32
      %dma_start3A_73 = tpu.memref_slice %arg16[%add3A_50, %dma_start3A_72] : memref<10240x48xf32, #tpu.memory_space<vmem_shared>> -> memref<80x48xf32, #tpu.memory_space<vmem_shared>>
      tpu.enqueue_dma source(%arg14 : memref<80x48xf32, #tpu.memory_space<vmem>>) target(%dma_start3A_73 : memref<80x48xf32, #tpu.memory_space<vmem_shared>>) target_semaphore(%run_scoped3A : memref<!tpu.dma_semaphore, #tpu.memory_space<semaphore_mem>>)
      %dma_wait3A = arith.constant 0 : i32
      %dma_wait3A_74 = tpu.memref_slice %arg16[%add3A_50, %dma_wait3A] : memref<10240x48xf32, #tpu.memory_space<vmem_shared>> -> memref<80x48xf32, #tpu.memory_space<vmem_shared>>
      %dma_wait3A_75 = arith.constant 0 : i32
      %dma_wait3A_76 = tpu.memref_slice %arg16[%add3A_50, %dma_wait3A_75] : memref<10240x48xf32, #tpu.memory_space<vmem_shared>> -> memref<80x48xf32, #tpu.memory_space<vmem_shared>>
      tpu.wait_dma2 semaphore(%run_scoped3A : memref<!tpu.dma_semaphore, #tpu.memory_space<semaphore_mem>>) src(%arg14 : memref<80x48xf32, #tpu.memory_space<vmem>>) dst(%dma_wait3A_76 : memref<80x48xf32, #tpu.memory_space<vmem_shared>>)
      tpu.yield
    }) : () -> ()
    %barrier3A = arith.constant 0 : index
    tpu.barrier barrier_id(%barrier3A)
    %scan3A_51 = arith.constant 0 : i32
    %scan3A_52 = arith.constant 0 : i32
    %scan3A_53 = arith.constant 125 : i32
    %scan3A_54 = arith.addi %scan3A_52, %scan3A_53 : i32
    %scan3A_55 = arith.constant 1 : i32
    %scan3A_56 = scf.for %scan3A_71 = %scan3A_52 to %scan3A_54 step %scan3A_55 iter_args(%scan3A_72 = %scan3A_51) -> (i32)  : i32 {
      %mul3A_73 = arith.constant 80 : i32
      %mul3A_74 = arith.muli %scan3A_71, %mul3A_73 : i32
      %dma_start3A = tpu.memref_slice %arg12[%mul3A_74] : memref<10000xi32, #tpu.memory_space<vmem>> -> memref<80xi32, #tpu.memory_space<vmem>>
      %dma_start3A_75 = arith.constant 0 : i32
      %dma_start3A_76 = arith.constant 0 : i32
      %dma_start3A_77 = tpu.memref_slice %arg6[%dma_start3A_75, %dma_start3A_76] : memref<10240x48xf32, #tpu.memory_space<hbm>> -> memref<10240x48xf32, #tpu.memory_space<hbm>>
      tpu.enqueue_indirect_dma source(%dma_start3A_77 : memref<10240x48xf32, #tpu.memory_space<hbm>>) target(%arg14 : memref<80x48xf32, #tpu.memory_space<vmem>>) offsets(%dma_start3A : memref<80xi32, #tpu.memory_space<vmem>>) semaphore(%arg17 : memref<!tpu.dma_semaphore, #tpu.memory_space<semaphore_mem>>)
      %dma_wait3A = tpu.memref_slice %arg12[%mul3A_74] : memref<10000xi32, #tpu.memory_space<vmem>> -> memref<80xi32, #tpu.memory_space<vmem>>
      %dma_wait3A_78 = arith.constant 0 : i32
      %dma_wait3A_79 = arith.constant 0 : i32
      %dma_wait3A_80 = tpu.memref_slice %arg6[%dma_wait3A_78, %dma_wait3A_79] : memref<10240x48xf32, #tpu.memory_space<hbm>> -> memref<10240x48xf32, #tpu.memory_space<hbm>>
      tpu.wait_indirect_dma semaphore(%arg17 : memref<!tpu.dma_semaphore, #tpu.memory_space<semaphore_mem>>) src(%dma_wait3A_80 : memref<10240x48xf32, #tpu.memory_space<hbm>>) dst(%arg14 : memref<80x48xf32, #tpu.memory_space<vmem>>)
      %scan3A_81 = arith.constant 0 : i32
      %scan3A_82 = arith.constant 0 : i32
      %scan3A_83 = arith.constant 5 : i32
      %scan3A_84 = arith.addi %scan3A_82, %scan3A_83 : i32
      %scan3A_85 = arith.constant 1 : i32
      %scan3A_86 = scf.for %scan3A_98 = %scan3A_82 to %scan3A_84 step %scan3A_85 iter_args(%scan3A_99 = %scan3A_81) -> (i32)  : i32 {
        %mul3A_100 = arith.constant 80 : i32
        %mul3A_101 = arith.muli %scan3A_71, %mul3A_100 : i32
        %mul3A_102 = arith.constant 16 : i32
        %mul3A_103 = arith.muli %scan3A_98, %mul3A_102 : i32
        %add3A_104 = arith.addi %mul3A_101, %mul3A_103 : i32
        %add3A_105 = vector.broadcast %add3A_104 : i32 to vector<16xi32>
        %add3A_106 = arith.addi %add3A_105, %iota3A : vector<16xi32>
        %gather3A = tpu.vector_load_idx %arg12[%add3A_106] : memref<10000xi32, #tpu.memory_space<vmem>>[vector<16xi32>], vector<16xi32>,
        %sub3A = arith.constant 0 : i32
        %sub3A_107 = vector.broadcast %sub3A : i32 to vector<16xi32>
        %sub3A_108 = arith.subi %gather3A, %sub3A_107 : vector<16xi32>
        %add3A_109 = vector.broadcast %add3A_104 : i32 to vector<16xi32>
        %add3A_110 = arith.addi %add3A_109, %iota3A : vector<16xi32>
        %gather3A_111 = tpu.vector_load_idx %arg13[%add3A_110] : memref<10000xi32, #tpu.memory_space<vmem>>[vector<16xi32>], vector<16xi32>,
        %gather3A_112 = tpu.vector_load_idx %arg9[%sub3A_108] : memref<10240xf32, #tpu.memory_space<vmem>>[vector<16xi32>], vector<16xf32>,
        %gather3A_113 = tpu.vector_load_idx %arg10[%gather3A_111] : memref<10240xf32, #tpu.memory_space<vmem>>[vector<16xi32>], vector<16xf32>,
        %add3A_114 = arith.addf %gather3A_112, %gather3A_113 : vector<16xf32>
        %ge3A = arith.constant 0.000000e+00 : f32
        %ge3A_115 = vector.broadcast %ge3A : f32 to vector<16xf32>
        %ge3A_116 = arith.cmpf oge, %add3A_114, %ge3A_115 : vector<16xf32>
        %mul3A_117 = arith.constant 2.000000e-01 : f32
        %mul3A_118 = vector.broadcast %mul3A_117 : f32 to vector<16xf32>
        %mul3A_119 = arith.mulf %add3A_114, %mul3A_118 : vector<16xf32>
        %select_n3A = arith.select %ge3A_116, %add3A_114, %mul3A_119 : vector<16xi1>, vector<16xf32>
        %exp3A = math.exp %select_n3A : vector<16xf32>
        tpu.vector_store_idx %arg11[%gather3A_111], %exp3A {add = true} : memref<10240xf32, #tpu.memory_space<vmem>>[vector<16xi32>], vector<16xf32>,
        %mul3A_120 = arith.constant 16 : i32
        %mul3A_121 = arith.muli %scan3A_98, %mul3A_120 : i32
        %add3A_122 = vector.broadcast %mul3A_121 : i32 to vector<16xi32>
        %add3A_123 = arith.addi %add3A_122, %iota3A : vector<16xi32>
        tpu.vector_store_idx %arg15[%add3A_123], %exp3A : memref<80xf32, #tpu.memory_space<vmem>>[vector<16xi32>], vector<16xf32>,
        %scan3A_124 = arith.constant 0 : i32
        scf.yield %scan3A_124 : i32
      }
      %scan3A_87 = arith.constant 5 : i32
      %scan3A_88 = arith.constant 0 : i32
      %scan3A_89 = arith.constant 0 : i32
      %scan3A_90 = arith.constant 80 : i32
      %scan3A_91 = arith.addi %scan3A_89, %scan3A_90 : i32
      %scan3A_92 = arith.constant 1 : i32
      %scan3A_93 = scf.for %scan3A_98 = %scan3A_89 to %scan3A_91 step %scan3A_92 iter_args(%scan3A_99 = %scan3A_88) -> (i32)  : i32 {
        %broadcast_in_dim3A_100 = arith.constant 0 : i32
        %broadcast_in_dim3A_101 = vector.broadcast %broadcast_in_dim3A_100 : i32 to vector<16xi32>
        %add3A_102 = vector.broadcast %scan3A_98 : i32 to vector<16xi32>
        %add3A_103 = arith.addi %broadcast_in_dim3A_101, %add3A_102 : vector<16xi32>
        %gather3A = tpu.vector_load_idx %arg15[%add3A_103] : memref<80xf32, #tpu.memory_space<vmem>>[vector<16xi32>], vector<16xf32>,
        %add3A_104 = arith.constant 0 : i32
        %add3A_105 = vector.broadcast %add3A_104 : i32 to vector<16xi32>
        %add3A_106 = arith.addi %iota3A, %add3A_105 : vector<16xi32>
        %broadcast_in_dim3A_107 = arith.constant 0 : i32
        %broadcast_in_dim3A_108 = vector.broadcast %broadcast_in_dim3A_107 : i32 to vector<16xi32>
        %add3A_109 = vector.broadcast %scan3A_98 : i32 to vector<16xi32>
        %add3A_110 = arith.addi %broadcast_in_dim3A_108, %add3A_109 : vector<16xi32>
        %gather3A_111 = tpu.vector_load_idx %arg14[%add3A_110, %add3A_106] : memref<80x48xf32, #tpu.memory_space<vmem>>[vector<16xi32>, vector<16xi32>], vector<16xf32>,
        %mul3A_112 = arith.mulf %gather3A_111, %gather3A : vector<16xf32>
        tpu.vector_store_idx %arg14[%add3A_110, %add3A_106], %mul3A_112 : memref<80x48xf32, #tpu.memory_space<vmem>>[vector<16xi32>, vector<16xi32>], vector<16xf32>,
        %add3A_113 = arith.constant 16 : i32
        %add3A_114 = vector.broadcast %add3A_113 : i32 to vector<16xi32>
        %add3A_115 = arith.addi %iota3A, %add3A_114 : vector<16xi32>
        %broadcast_in_dim3A_116 = arith.constant 0 : i32
        %broadcast_in_dim3A_117 = vector.broadcast %broadcast_in_dim3A_116 : i32 to vector<16xi32>
        %add3A_118 = vector.broadcast %scan3A_98 : i32 to vector<16xi32>
        %add3A_119 = arith.addi %broadcast_in_dim3A_117, %add3A_118 : vector<16xi32>
        %gather3A_120 = tpu.vector_load_idx %arg14[%add3A_119, %add3A_115] : memref<80x48xf32, #tpu.memory_space<vmem>>[vector<16xi32>, vector<16xi32>], vector<16xf32>,
        %mul3A_121 = arith.mulf %gather3A_120, %gather3A : vector<16xf32>
        tpu.vector_store_idx %arg14[%add3A_119, %add3A_115], %mul3A_121 : memref<80x48xf32, #tpu.memory_space<vmem>>[vector<16xi32>, vector<16xi32>], vector<16xf32>,
        %add3A_122 = arith.constant 32 : i32
        %add3A_123 = vector.broadcast %add3A_122 : i32 to vector<16xi32>
        %add3A_124 = arith.addi %iota3A, %add3A_123 : vector<16xi32>
        %broadcast_in_dim3A_125 = arith.constant 0 : i32
        %broadcast_in_dim3A_126 = vector.broadcast %broadcast_in_dim3A_125 : i32 to vector<16xi32>
        %add3A_127 = vector.broadcast %scan3A_98 : i32 to vector<16xi32>
        %add3A_128 = arith.addi %broadcast_in_dim3A_126, %add3A_127 : vector<16xi32>
        %gather3A_129 = tpu.vector_load_idx %arg14[%add3A_128, %add3A_124] : memref<80x48xf32, #tpu.memory_space<vmem>>[vector<16xi32>, vector<16xi32>], vector<16xf32>,
        %mul3A_130 = arith.mulf %gather3A_129, %gather3A : vector<16xf32>
        tpu.vector_store_idx %arg14[%add3A_128, %add3A_124], %mul3A_130 : memref<80x48xf32, #tpu.memory_space<vmem>>[vector<16xi32>, vector<16xi32>], vector<16xf32>,
        %scan3A_131 = arith.constant 0 : i32
        scf.yield %scan3A_131 : i32
      }
      %scan3A_94 = arith.constant 80 : i32
      %mul3A_95 = arith.constant 80 : i32
      %mul3A_96 = arith.muli %scan3A_71, %mul3A_95 : i32
      "tpu.region"() ({
        %run_scoped3A = tpu.sem_alloc : memref<!tpu.dma_semaphore, #tpu.memory_space<semaphore_mem>>
        %dma_start3A_98 = tpu.memref_slice %arg13[%mul3A_96] : memref<10000xi32, #tpu.memory_space<vmem>> -> memref<80xi32, #tpu.memory_space<vmem>>
        %dma_start3A_99 = arith.constant 0 : i32
        %dma_start3A_100 = arith.constant 0 : i32
        %dma_start3A_101 = tpu.memref_slice %arg16[%dma_start3A_99, %dma_start3A_100] : memref<10240x48xf32, #tpu.memory_space<vmem_shared>> -> memref<10240x48xf32, #tpu.memory_space<vmem_shared>>
        tpu.enqueue_indirect_dma source(%arg14 : memref<80x48xf32, #tpu.memory_space<vmem>>) target(%dma_start3A_101 : memref<10240x48xf32, #tpu.memory_space<vmem_shared>>) offsets(%dma_start3A_98 : memref<80xi32, #tpu.memory_space<vmem>>) semaphore(%run_scoped3A : memref<!tpu.dma_semaphore, #tpu.memory_space<semaphore_mem>>) {add = true}
        %dma_wait3A_102 = tpu.memref_slice %arg13[%mul3A_96] : memref<10000xi32, #tpu.memory_space<vmem>> -> memref<80xi32, #tpu.memory_space<vmem>>
        %dma_wait3A_103 = arith.constant 0 : i32
        %dma_wait3A_104 = arith.constant 0 : i32
        %dma_wait3A_105 = tpu.memref_slice %arg16[%dma_wait3A_103, %dma_wait3A_104] : memref<10240x48xf32, #tpu.memory_space<vmem_shared>> -> memref<10240x48xf32, #tpu.memory_space<vmem_shared>>
        tpu.wait_indirect_dma semaphore(%run_scoped3A : memref<!tpu.dma_semaphore, #tpu.memory_space<semaphore_mem>>) src(%arg14 : memref<80x48xf32, #tpu.memory_space<vmem>>) dst(%dma_wait3A_105 : memref<10240x48xf32, #tpu.memory_space<vmem_shared>>)
        tpu.yield
      }) : () -> ()
      %scan3A_97 = arith.constant 0 : i32
      scf.yield %scan3A_97 : i32
    }
    %scan3A_57 = arith.constant 125 : i32
    %mul3A_58 = arith.constant 16 : i32
    %mul3A_59 = arith.muli %arg0, %mul3A_58 : i32
    %add3A_60 = arith.addi %mul3A_59, %arg1 : i32
    %mul3A_61 = arith.constant 10240 : i32
    %mul3A_62 = arith.muli %add3A_60, %mul3A_61 : i32
    "tpu.region"() ({
      %run_scoped3A = tpu.sem_alloc : memref<!tpu.dma_semaphore, #tpu.memory_space<semaphore_mem>>
      %dma_start3A = tpu.memref_slice %arg8[%mul3A_62] : memref<327680xf32, #tpu.memory_space<hbm>> -> memref<10240xf32, #tpu.memory_space<hbm>>
      %dma_start3A_71 = tpu.memref_slice %arg8[%mul3A_62] : memref<327680xf32, #tpu.memory_space<hbm>> -> memref<10240xf32, #tpu.memory_space<hbm>>
      tpu.enqueue_dma source(%arg11 : memref<10240xf32, #tpu.memory_space<vmem>>) target(%dma_start3A_71 : memref<10240xf32, #tpu.memory_space<hbm>>) target_semaphore(%run_scoped3A : memref<!tpu.dma_semaphore, #tpu.memory_space<semaphore_mem>>)
      %dma_wait3A = tpu.memref_slice %arg8[%mul3A_62] : memref<327680xf32, #tpu.memory_space<hbm>> -> memref<10240xf32, #tpu.memory_space<hbm>>
      %dma_wait3A_72 = tpu.memref_slice %arg8[%mul3A_62] : memref<327680xf32, #tpu.memory_space<hbm>> -> memref<10240xf32, #tpu.memory_space<hbm>>
      tpu.wait_dma2 semaphore(%run_scoped3A : memref<!tpu.dma_semaphore, #tpu.memory_space<semaphore_mem>>) src(%arg11 : memref<10240xf32, #tpu.memory_space<vmem>>) dst(%dma_wait3A_72 : memref<10240xf32, #tpu.memory_space<hbm>>)
      tpu.yield
    }) : () -> ()
    %barrier3A_63 = arith.constant 0 : index
    tpu.barrier barrier_id(%barrier3A_63)
    %mul3A_64 = arith.constant 640 : i32
    %mul3A_65 = arith.muli %arg1, %mul3A_64 : i32
    %mul3A_66 = arith.constant 10240 : i32
    %mul3A_67 = arith.muli %arg0, %mul3A_66 : i32
    %mul3A_68 = arith.constant 640 : i32
    %mul3A_69 = arith.muli %arg1, %mul3A_68 : i32
    %add3A_70 = arith.addi %mul3A_67, %mul3A_69 : i32
    "tpu.region"() ({
      %run_scoped3A = tpu.sem_alloc : memref<!tpu.dma_semaphore, #tpu.memory_space<semaphore_mem>>
      %dma_start3A = arith.constant 0 : i32
      %dma_start3A_71 = tpu.memref_slice %arg7[%add3A_70, %dma_start3A] : memref<20480x48xf32, #tpu.memory_space<hbm>> -> memref<640x48xf32, #tpu.memory_space<hbm>>
      %dma_start3A_72 = arith.constant 0 : i32
      %dma_start3A_73 = tpu.memref_slice %arg16[%mul3A_65, %dma_start3A_72] : memref<10240x48xf32, #tpu.memory_space<vmem_shared>> -> memref<640x48xf32, #tpu.memory_space<vmem_shared>>
      tpu.enqueue_dma source(%dma_start3A_73 : memref<640x48xf32, #tpu.memory_space<vmem_shared>>) target(%dma_start3A_71 : memref<640x48xf32, #tpu.memory_space<hbm>>) target_semaphore(%run_scoped3A : memref<!tpu.dma_semaphore, #tpu.memory_space<semaphore_mem>>)
      %dma_wait3A = arith.constant 0 : i32
      %dma_wait3A_74 = tpu.memref_slice %arg7[%add3A_70, %dma_wait3A] : memref<20480x48xf32, #tpu.memory_space<hbm>> -> memref<640x48xf32, #tpu.memory_space<hbm>>
      %dma_wait3A_75 = arith.constant 0 : i32
      %dma_wait3A_76 = tpu.memref_slice %arg16[%mul3A_65, %dma_wait3A_75] : memref<10240x48xf32, #tpu.memory_space<vmem_shared>> -> memref<640x48xf32, #tpu.memory_space<vmem_shared>>
      tpu.wait_dma2 semaphore(%run_scoped3A : memref<!tpu.dma_semaphore, #tpu.memory_space<semaphore_mem>>) src(%dma_wait3A_76 : memref<640x48xf32, #tpu.memory_space<vmem_shared>>) dst(%dma_wait3A_74 : memref<640x48xf32, #tpu.memory_space<hbm>>)
      tpu.yield
    }) : () -> ()
    return
  }
}

module attributes {stable_mosaic.version = 14 : i64} {
  func.func @_tc1_body(%arg0: memref<10000x128xf32, #tpu.memory_space<vmem>>, %arg1: memref<128x128xf32, #tpu.memory_space<vmem>>, %arg2: memref<2x64xf32, #tpu.memory_space<vmem>>, %arg3: memref<2x64xf32, #tpu.memory_space<vmem>>, %arg4: memref<2x10000x64xf32, #tpu.memory_space<vmem>>, %arg5: memref<2x10000xf32, #tpu.memory_space<vmem>>, %arg6: memref<2x10000xf32, #tpu.memory_space<vmem>>) attributes {dimension_semantics = [], scalar_prefetch = 0 : i64, scratch_operands = 0 : i64, tpu.core_type = #tpu.core_type<tc>} {
    %get3A = arith.constant 0 : index
    %get3A_0 = arith.constant 0 : index
    %get3A_1 = vector.load %arg0[%get3A, %get3A_0] : memref<10000x128xf32, #tpu.memory_space<vmem>>, vector<10000x128xf32>
    %get3A_2 = arith.constant 0 : index
    %get3A_3 = arith.constant 0 : index
    %get3A_4 = vector.load %arg1[%get3A_2, %get3A_3] : memref<128x128xf32, #tpu.memory_space<vmem>>, vector<128x128xf32>
    %dot_general3A = arith.constant dense<0.000000e+00> : vector<10000x128xf32>
    %dot_general3A_5 = tpu.matmul %get3A_1, %get3A_4, %dot_general3A {dimension_numbers = #tpu.dot_dimension_numbers<[1], [0], [0], [1], [0, 0, 1, 1], [], []>, transpose_lhs_hint = false} : vector<10000x128xf32>, vector<128x128xf32>, vector<10000x128xf32> -> vector<10000x128xf32>
    %slice3A = vector.extract_strided_slice %dot_general3A_5 {offsets = [0, 0], sizes = [10000, 64], strides = [1, 1]} : vector<10000x128xf32> to vector<10000x64xf32>
    %swap3A = arith.constant 0 : index
    %swap3A_6 = arith.constant 0 : index
    %swap3A_7 = arith.constant 0 : index
    %swap3A_8 = vector.load %arg4[%swap3A, %swap3A_6, %swap3A_7] : memref<2x10000x64xf32, #tpu.memory_space<vmem>>, vector<1x10000x64xf32>
    %swap3A_9 = vector.shape_cast %swap3A_8 : vector<1x10000x64xf32> to vector<10000x64xf32>
    %swap3A_10 = vector.shape_cast %slice3A : vector<10000x64xf32> to vector<1x10000x64xf32>
    tpu.vector_store %arg4[%swap3A, %swap3A_6, %swap3A_7], %swap3A_10 {strides = array<i32>} : memref<2x10000x64xf32, #tpu.memory_space<vmem>>, vector<1x10000x64xf32>,
    %get3A_11 = arith.constant 0 : index
    %get3A_12 = arith.constant 0 : index
    %get3A_13 = vector.load %arg2[%get3A_11, %get3A_12] : memref<2x64xf32, #tpu.memory_space<vmem>>, vector<1x64xf32>
    %get3A_14 = vector.shape_cast %get3A_13 : vector<1x64xf32> to vector<64xf32>
    %broadcast_in_dim3A = vector.shape_cast %get3A_14 : vector<64xf32> to vector<1x64xf32>
    %mul3A = vector.broadcast %broadcast_in_dim3A : vector<1x64xf32> to vector<10000x64xf32>
    %mul3A_15 = arith.mulf %slice3A, %mul3A : vector<10000x64xf32>
    %reduce_sum3A = arith.constant dense<0.000000e+00> : vector<10000xf32>
    %reduce_sum3A_16 = vector.multi_reduction <add>, %mul3A_15, %reduce_sum3A [1] : vector<10000x64xf32> to vector<10000xf32>
    %swap3A_17 = arith.constant 0 : index
    %swap3A_18 = arith.constant 0 : index
    %swap3A_19 = vector.load %arg5[%swap3A_17, %swap3A_18] : memref<2x10000xf32, #tpu.memory_space<vmem>>, vector<1x10000xf32>
    %swap3A_20 = vector.shape_cast %swap3A_19 : vector<1x10000xf32> to vector<10000xf32>
    %swap3A_21 = vector.shape_cast %reduce_sum3A_16 : vector<10000xf32> to vector<1x10000xf32>
    tpu.vector_store %arg5[%swap3A_17, %swap3A_18], %swap3A_21 {strides = array<i32>} : memref<2x10000xf32, #tpu.memory_space<vmem>>, vector<1x10000xf32>,
    %get3A_22 = arith.constant 0 : index
    %get3A_23 = arith.constant 0 : index
    %get3A_24 = vector.load %arg3[%get3A_22, %get3A_23] : memref<2x64xf32, #tpu.memory_space<vmem>>, vector<1x64xf32>
    %get3A_25 = vector.shape_cast %get3A_24 : vector<1x64xf32> to vector<64xf32>
    %broadcast_in_dim3A_26 = vector.shape_cast %get3A_25 : vector<64xf32> to vector<1x64xf32>
    %mul3A_27 = vector.broadcast %broadcast_in_dim3A_26 : vector<1x64xf32> to vector<10000x64xf32>
    %mul3A_28 = arith.mulf %slice3A, %mul3A_27 : vector<10000x64xf32>
    %reduce_sum3A_29 = arith.constant dense<0.000000e+00> : vector<10000xf32>
    %reduce_sum3A_30 = vector.multi_reduction <add>, %mul3A_28, %reduce_sum3A_29 [1] : vector<10000x64xf32> to vector<10000xf32>
    %swap3A_31 = arith.constant 0 : index
    %swap3A_32 = arith.constant 0 : index
    %swap3A_33 = vector.load %arg6[%swap3A_31, %swap3A_32] : memref<2x10000xf32, #tpu.memory_space<vmem>>, vector<1x10000xf32>
    %swap3A_34 = vector.shape_cast %swap3A_33 : vector<1x10000xf32> to vector<10000xf32>
    %swap3A_35 = vector.shape_cast %reduce_sum3A_30 : vector<10000xf32> to vector<1x10000xf32>
    tpu.vector_store %arg6[%swap3A_31, %swap3A_32], %swap3A_35 {strides = array<i32>} : memref<2x10000xf32, #tpu.memory_space<vmem>>, vector<1x10000xf32>,
    %slice3A_36 = vector.extract_strided_slice %dot_general3A_5 {offsets = [0, 64], sizes = [10000, 64], strides = [1, 1]} : vector<10000x128xf32> to vector<10000x64xf32>
    %swap3A_37 = arith.constant 1 : index
    %swap3A_38 = arith.constant 0 : index
    %swap3A_39 = arith.constant 0 : index
    %swap3A_40 = vector.load %arg4[%swap3A_37, %swap3A_38, %swap3A_39] : memref<2x10000x64xf32, #tpu.memory_space<vmem>>, vector<1x10000x64xf32>
    %swap3A_41 = vector.shape_cast %swap3A_40 : vector<1x10000x64xf32> to vector<10000x64xf32>
    %swap3A_42 = vector.shape_cast %slice3A_36 : vector<10000x64xf32> to vector<1x10000x64xf32>
    tpu.vector_store %arg4[%swap3A_37, %swap3A_38, %swap3A_39], %swap3A_42 {strides = array<i32>} : memref<2x10000x64xf32, #tpu.memory_space<vmem>>, vector<1x10000x64xf32>,
    %get3A_43 = arith.constant 1 : index
    %get3A_44 = arith.constant 0 : index
    %get3A_45 = vector.load %arg2[%get3A_43, %get3A_44] : memref<2x64xf32, #tpu.memory_space<vmem>>, vector<1x64xf32>
    %get3A_46 = vector.shape_cast %get3A_45 : vector<1x64xf32> to vector<64xf32>
    %broadcast_in_dim3A_47 = vector.shape_cast %get3A_46 : vector<64xf32> to vector<1x64xf32>
    %mul3A_48 = vector.broadcast %broadcast_in_dim3A_47 : vector<1x64xf32> to vector<10000x64xf32>
    %mul3A_49 = arith.mulf %slice3A_36, %mul3A_48 : vector<10000x64xf32>
    %reduce_sum3A_50 = arith.constant dense<0.000000e+00> : vector<10000xf32>
    %reduce_sum3A_51 = vector.multi_reduction <add>, %mul3A_49, %reduce_sum3A_50 [1] : vector<10000x64xf32> to vector<10000xf32>
    %swap3A_52 = arith.constant 1 : index
    %swap3A_53 = arith.constant 0 : index
    %swap3A_54 = vector.load %arg5[%swap3A_52, %swap3A_53] : memref<2x10000xf32, #tpu.memory_space<vmem>>, vector<1x10000xf32>
    %swap3A_55 = vector.shape_cast %swap3A_54 : vector<1x10000xf32> to vector<10000xf32>
    %swap3A_56 = vector.shape_cast %reduce_sum3A_51 : vector<10000xf32> to vector<1x10000xf32>
    tpu.vector_store %arg5[%swap3A_52, %swap3A_53], %swap3A_56 {strides = array<i32>} : memref<2x10000xf32, #tpu.memory_space<vmem>>, vector<1x10000xf32>,
    %get3A_57 = arith.constant 1 : index
    %get3A_58 = arith.constant 0 : index
    %get3A_59 = vector.load %arg3[%get3A_57, %get3A_58] : memref<2x64xf32, #tpu.memory_space<vmem>>, vector<1x64xf32>
    %get3A_60 = vector.shape_cast %get3A_59 : vector<1x64xf32> to vector<64xf32>
    %broadcast_in_dim3A_61 = vector.shape_cast %get3A_60 : vector<64xf32> to vector<1x64xf32>
    %mul3A_62 = vector.broadcast %broadcast_in_dim3A_61 : vector<1x64xf32> to vector<10000x64xf32>
    %mul3A_63 = arith.mulf %slice3A_36, %mul3A_62 : vector<10000x64xf32>
    %reduce_sum3A_64 = arith.constant dense<0.000000e+00> : vector<10000xf32>
    %reduce_sum3A_65 = vector.multi_reduction <add>, %mul3A_63, %reduce_sum3A_64 [1] : vector<10000x64xf32> to vector<10000xf32>
    %swap3A_66 = arith.constant 1 : index
    %swap3A_67 = arith.constant 0 : index
    %swap3A_68 = vector.load %arg6[%swap3A_66, %swap3A_67] : memref<2x10000xf32, #tpu.memory_space<vmem>>, vector<1x10000xf32>
    %swap3A_69 = vector.shape_cast %swap3A_68 : vector<1x10000xf32> to vector<10000xf32>
    %swap3A_70 = vector.shape_cast %reduce_sum3A_65 : vector<10000xf32> to vector<1x10000xf32>
    tpu.vector_store %arg6[%swap3A_66, %swap3A_67], %swap3A_70 {strides = array<i32>} : memref<2x10000xf32, #tpu.memory_space<vmem>>, vector<1x10000xf32>,
    return
  }
}

module attributes {stable_mosaic.version = 14 : i64} {
  func.func @_tc2_body(%arg0: memref<2x10240x64xf32, #tpu.memory_space<vmem>>, %arg1: memref<32x10240xf32, #tpu.memory_space<vmem>>, %arg2: memref<64x48xf32, #tpu.memory_space<vmem>>, %arg3: memref<64x48xf32, #tpu.memory_space<vmem>>, %arg4: memref<48xf32, #tpu.memory_space<vmem>>, %arg5: memref<48xf32, #tpu.memory_space<vmem>>, %arg6: memref<2x64xf32, #tpu.memory_space<vmem>>, %arg7: memref<10240x48xf32, #tpu.memory_space<vmem>>, %arg8: memref<1x10240xf32, #tpu.memory_space<vmem>>, %arg9: memref<1x10240xf32, #tpu.memory_space<vmem>>) attributes {dimension_semantics = [], scalar_prefetch = 0 : i64, scratch_operands = 0 : i64, tpu.core_type = #tpu.core_type<tc>} {
    %get3A = arith.constant 0 : index
    %get3A_0 = arith.constant 0 : index
    %get3A_1 = vector.load %arg1[%get3A, %get3A_0] : memref<32x10240xf32, #tpu.memory_space<vmem>>, vector<16x10240xf32>
    %reduce_sum3A = arith.constant dense<0.000000e+00> : vector<10240xf32>
    %reduce_sum3A_2 = vector.multi_reduction <add>, %get3A_1, %reduce_sum3A [0] : vector<16x10240xf32> to vector<10240xf32>
    %get3A_3 = arith.constant 0 : index
    %get3A_4 = arith.constant 0 : index
    %get3A_5 = arith.constant 0 : index
    %get3A_6 = vector.load %arg0[%get3A_3, %get3A_4, %get3A_5] : memref<2x10240x64xf32, #tpu.memory_space<vmem>>, vector<1x10240x64xf32>
    %get3A_7 = vector.shape_cast %get3A_6 : vector<1x10240x64xf32> to vector<10240x64xf32>
    %broadcast_in_dim3A = vector.shape_cast %reduce_sum3A_2 : vector<10240xf32> to vector<10240x1xf32>
    %add3A = arith.constant 1.000000e-16 : f32
    %add3A_8 = vector.broadcast %add3A : f32 to vector<10240x1xf32>
    %add3A_9 = arith.addf %broadcast_in_dim3A, %add3A_8 : vector<10240x1xf32>
    %div3A = vector.broadcast %add3A_9 : vector<10240x1xf32> to vector<10240x64xf32>
    %div3A_10 = arith.divf %get3A_7, %div3A : vector<10240x64xf32>
    %get3A_11 = arith.constant 0 : index
    %get3A_12 = arith.constant 0 : index
    %get3A_13 = vector.load %arg6[%get3A_11, %get3A_12] : memref<2x64xf32, #tpu.memory_space<vmem>>, vector<1x64xf32>
    %get3A_14 = vector.shape_cast %get3A_13 : vector<1x64xf32> to vector<64xf32>
    %broadcast_in_dim3A_15 = vector.shape_cast %get3A_14 : vector<64xf32> to vector<1x64xf32>
    %add3A_16 = vector.broadcast %broadcast_in_dim3A_15 : vector<1x64xf32> to vector<10240x64xf32>
    %add3A_17 = arith.addf %div3A_10, %add3A_16 : vector<10240x64xf32>
    %gt3A = arith.constant 0.000000e+00 : f32
    %gt3A_18 = vector.broadcast %gt3A : f32 to vector<10240x64xf32>
    %gt3A_19 = arith.cmpf ogt, %add3A_17, %gt3A_18 : vector<10240x64xf32>
    %exp3A = math.exp %add3A_17 : vector<10240x64xf32>
    %sub3A = arith.constant 1.000000e+00 : f32
    %sub3A_20 = vector.broadcast %sub3A : f32 to vector<10240x64xf32>
    %sub3A_21 = arith.subf %exp3A, %sub3A_20 : vector<10240x64xf32>
    %select_n3A = arith.select %gt3A_19, %add3A_17, %sub3A_21 : vector<10240x64xi1>, vector<10240x64xf32>
    %get3A_22 = arith.constant 16 : index
    %get3A_23 = arith.constant 0 : index
    %get3A_24 = vector.load %arg1[%get3A_22, %get3A_23] : memref<32x10240xf32, #tpu.memory_space<vmem>>, vector<16x10240xf32>
    %reduce_sum3A_25 = arith.constant dense<0.000000e+00> : vector<10240xf32>
    %reduce_sum3A_26 = vector.multi_reduction <add>, %get3A_24, %reduce_sum3A_25 [0] : vector<16x10240xf32> to vector<10240xf32>
    %get3A_27 = arith.constant 1 : index
    %get3A_28 = arith.constant 0 : index
    %get3A_29 = arith.constant 0 : index
    %get3A_30 = vector.load %arg0[%get3A_27, %get3A_28, %get3A_29] : memref<2x10240x64xf32, #tpu.memory_space<vmem>>, vector<1x10240x64xf32>
    %get3A_31 = vector.shape_cast %get3A_30 : vector<1x10240x64xf32> to vector<10240x64xf32>
    %broadcast_in_dim3A_32 = vector.shape_cast %reduce_sum3A_26 : vector<10240xf32> to vector<10240x1xf32>
    %add3A_33 = arith.constant 1.000000e-16 : f32
    %add3A_34 = vector.broadcast %add3A_33 : f32 to vector<10240x1xf32>
    %add3A_35 = arith.addf %broadcast_in_dim3A_32, %add3A_34 : vector<10240x1xf32>
    %div3A_36 = vector.broadcast %add3A_35 : vector<10240x1xf32> to vector<10240x64xf32>
    %div3A_37 = arith.divf %get3A_31, %div3A_36 : vector<10240x64xf32>
    %get3A_38 = arith.constant 1 : index
    %get3A_39 = arith.constant 0 : index
    %get3A_40 = vector.load %arg6[%get3A_38, %get3A_39] : memref<2x64xf32, #tpu.memory_space<vmem>>, vector<1x64xf32>
    %get3A_41 = vector.shape_cast %get3A_40 : vector<1x64xf32> to vector<64xf32>
    %broadcast_in_dim3A_42 = vector.shape_cast %get3A_41 : vector<64xf32> to vector<1x64xf32>
    %add3A_43 = vector.broadcast %broadcast_in_dim3A_42 : vector<1x64xf32> to vector<10240x64xf32>
    %add3A_44 = arith.addf %div3A_37, %add3A_43 : vector<10240x64xf32>
    %gt3A_45 = arith.constant 0.000000e+00 : f32
    %gt3A_46 = vector.broadcast %gt3A_45 : f32 to vector<10240x64xf32>
    %gt3A_47 = arith.cmpf ogt, %add3A_44, %gt3A_46 : vector<10240x64xf32>
    %exp3A_48 = math.exp %add3A_44 : vector<10240x64xf32>
    %sub3A_49 = arith.constant 1.000000e+00 : f32
    %sub3A_50 = vector.broadcast %sub3A_49 : f32 to vector<10240x64xf32>
    %sub3A_51 = arith.subf %exp3A_48, %sub3A_50 : vector<10240x64xf32>
    %select_n3A_52 = arith.select %gt3A_47, %add3A_44, %sub3A_51 : vector<10240x64xi1>, vector<10240x64xf32>
    %get3A_53 = arith.constant 0 : index
    %get3A_54 = arith.constant 0 : index
    %get3A_55 = vector.load %arg2[%get3A_53, %get3A_54] : memref<64x48xf32, #tpu.memory_space<vmem>>, vector<64x48xf32>
    %dot_general3A = arith.constant dense<0.000000e+00> : vector<10240x48xf32>
    %dot_general3A_56 = tpu.matmul %select_n3A, %get3A_55, %dot_general3A {dimension_numbers = #tpu.dot_dimension_numbers<[1], [0], [0], [1], [0, 0, 1, 1], [], []>, transpose_lhs_hint = false} : vector<10240x64xf32>, vector<64x48xf32>, vector<10240x48xf32> -> vector<10240x48xf32>
    %get3A_57 = arith.constant 0 : index
    %get3A_58 = arith.constant 0 : index
    %get3A_59 = vector.load %arg3[%get3A_57, %get3A_58] : memref<64x48xf32, #tpu.memory_space<vmem>>, vector<64x48xf32>
    %dot_general3A_60 = arith.constant dense<0.000000e+00> : vector<10240x48xf32>
    %dot_general3A_61 = tpu.matmul %select_n3A_52, %get3A_59, %dot_general3A_60 {dimension_numbers = #tpu.dot_dimension_numbers<[1], [0], [0], [1], [0, 0, 1, 1], [], []>, transpose_lhs_hint = false} : vector<10240x64xf32>, vector<64x48xf32>, vector<10240x48xf32> -> vector<10240x48xf32>
    %add3A_62 = arith.addf %dot_general3A_56, %dot_general3A_61 : vector<10240x48xf32>
    %swap3A = arith.constant 0 : index
    %swap3A_63 = arith.constant 0 : index
    %swap3A_64 = vector.load %arg7[%swap3A, %swap3A_63] : memref<10240x48xf32, #tpu.memory_space<vmem>>, vector<10240x48xf32>
    tpu.vector_store %arg7[%swap3A, %swap3A_63], %add3A_62 {strides = array<i32>} : memref<10240x48xf32, #tpu.memory_space<vmem>>, vector<10240x48xf32>,
    %get3A_65 = arith.constant 0 : index
    %get3A_66 = vector.load %arg4[%get3A_65] : memref<48xf32, #tpu.memory_space<vmem>>, vector<48xf32>
    %broadcast_in_dim3A_67 = vector.shape_cast %get3A_66 : vector<48xf32> to vector<1x48xf32>
    %mul3A = vector.broadcast %broadcast_in_dim3A_67 : vector<1x48xf32> to vector<10240x48xf32>
    %mul3A_68 = arith.mulf %add3A_62, %mul3A : vector<10240x48xf32>
    %reduce_sum3A_69 = arith.constant dense<0.000000e+00> : vector<10240xf32>
    %reduce_sum3A_70 = vector.multi_reduction <add>, %mul3A_68, %reduce_sum3A_69 [1] : vector<10240x48xf32> to vector<10240xf32>
    %swap3A_71 = arith.constant 0 : index
    %swap3A_72 = arith.constant 0 : index
    %swap3A_73 = vector.load %arg8[%swap3A_71, %swap3A_72] : memref<1x10240xf32, #tpu.memory_space<vmem>>, vector<1x10240xf32>
    %swap3A_74 = vector.shape_cast %swap3A_73 : vector<1x10240xf32> to vector<10240xf32>
    %swap3A_75 = vector.shape_cast %reduce_sum3A_70 : vector<10240xf32> to vector<1x10240xf32>
    tpu.vector_store %arg8[%swap3A_71, %swap3A_72], %swap3A_75 {strides = array<i32>} : memref<1x10240xf32, #tpu.memory_space<vmem>>, vector<1x10240xf32>,
    %get3A_76 = arith.constant 0 : index
    %get3A_77 = vector.load %arg5[%get3A_76] : memref<48xf32, #tpu.memory_space<vmem>>, vector<48xf32>
    %broadcast_in_dim3A_78 = vector.shape_cast %get3A_77 : vector<48xf32> to vector<1x48xf32>
    %mul3A_79 = vector.broadcast %broadcast_in_dim3A_78 : vector<1x48xf32> to vector<10240x48xf32>
    %mul3A_80 = arith.mulf %add3A_62, %mul3A_79 : vector<10240x48xf32>
    %reduce_sum3A_81 = arith.constant dense<0.000000e+00> : vector<10240xf32>
    %reduce_sum3A_82 = vector.multi_reduction <add>, %mul3A_80, %reduce_sum3A_81 [1] : vector<10240x48xf32> to vector<10240xf32>
    %swap3A_83 = arith.constant 0 : index
    %swap3A_84 = arith.constant 0 : index
    %swap3A_85 = vector.load %arg9[%swap3A_83, %swap3A_84] : memref<1x10240xf32, #tpu.memory_space<vmem>>, vector<1x10240xf32>
    %swap3A_86 = vector.shape_cast %swap3A_85 : vector<1x10240xf32> to vector<10240xf32>
    %swap3A_87 = vector.shape_cast %reduce_sum3A_82 : vector<10240xf32> to vector<1x10240xf32>
    tpu.vector_store %arg9[%swap3A_83, %swap3A_84], %swap3A_87 {strides = array<i32>} : memref<1x10240xf32, #tpu.memory_space<vmem>>, vector<1x10240xf32>,
    return
  }
}

module attributes {stable_mosaic.version = 14 : i64} {
  func.func @_tc3_body(%arg0: memref<2x10240x48xf32, #tpu.memory_space<vmem>>, %arg1: memref<2x16x10240xf32, #tpu.memory_space<vmem>>, %arg2: memref<40xf32, #tpu.memory_space<vmem>>, %arg3: memref<10000x40xf32, #tpu.memory_space<vmem>>) attributes {dimension_semantics = [], scalar_prefetch = 0 : i64, scratch_operands = 0 : i64, tpu.core_type = #tpu.core_type<tc>} {
    %get3A = arith.constant 0 : index
    %get3A_0 = arith.constant 0 : index
    %get3A_1 = arith.constant 0 : index
    %get3A_2 = vector.load %arg1[%get3A, %get3A_0, %get3A_1] : memref<2x16x10240xf32, #tpu.memory_space<vmem>>, vector<2x16x10240xf32>
    %reduce_sum3A = arith.constant dense<0.000000e+00> : vector<10240xf32>
    %reduce_sum3A_3 = vector.multi_reduction <add>, %get3A_2, %reduce_sum3A [0, 1] : vector<2x16x10240xf32> to vector<10240xf32>
    %get3A_4 = arith.constant 0 : index
    %get3A_5 = arith.constant 0 : index
    %get3A_6 = arith.constant 0 : index
    %get3A_7 = vector.load %arg0[%get3A_4, %get3A_5, %get3A_6] : memref<2x10240x48xf32, #tpu.memory_space<vmem>>, vector<1x10240x48xf32>
    %get3A_8 = vector.shape_cast %get3A_7 : vector<1x10240x48xf32> to vector<10240x48xf32>
    %get3A_9 = arith.constant 1 : index
    %get3A_10 = arith.constant 0 : index
    %get3A_11 = arith.constant 0 : index
    %get3A_12 = vector.load %arg0[%get3A_9, %get3A_10, %get3A_11] : memref<2x10240x48xf32, #tpu.memory_space<vmem>>, vector<1x10240x48xf32>
    %get3A_13 = vector.shape_cast %get3A_12 : vector<1x10240x48xf32> to vector<10240x48xf32>
    %add3A = arith.addf %get3A_8, %get3A_13 : vector<10240x48xf32>
    %broadcast_in_dim3A = vector.shape_cast %reduce_sum3A_3 : vector<10240xf32> to vector<10240x1xf32>
    %add3A_14 = arith.constant 1.000000e-16 : f32
    %add3A_15 = vector.broadcast %add3A_14 : f32 to vector<10240x1xf32>
    %add3A_16 = arith.addf %broadcast_in_dim3A, %add3A_15 : vector<10240x1xf32>
    %div3A = vector.broadcast %add3A_16 : vector<10240x1xf32> to vector<10240x48xf32>
    %div3A_17 = arith.divf %add3A, %div3A : vector<10240x48xf32>
    %slice3A = vector.extract_strided_slice %div3A_17 {offsets = [0, 0], sizes = [10000, 40], strides = [1, 1]} : vector<10240x48xf32> to vector<10000x40xf32>
    %get3A_18 = arith.constant 0 : index
    %get3A_19 = vector.load %arg2[%get3A_18] : memref<40xf32, #tpu.memory_space<vmem>>, vector<40xf32>
    %broadcast_in_dim3A_20 = vector.shape_cast %get3A_19 : vector<40xf32> to vector<1x40xf32>
    %add3A_21 = vector.broadcast %broadcast_in_dim3A_20 : vector<1x40xf32> to vector<10000x40xf32>
    %add3A_22 = arith.addf %slice3A, %add3A_21 : vector<10000x40xf32>
    %swap3A = arith.constant 0 : index
    %swap3A_23 = arith.constant 0 : index
    %swap3A_24 = vector.load %arg3[%swap3A, %swap3A_23] : memref<10000x40xf32, #tpu.memory_space<vmem>>, vector<10000x40xf32>
    tpu.vector_store %arg3[%swap3A, %swap3A_23], %add3A_22 {strides = array<i32>} : memref<10000x40xf32, #tpu.memory_space<vmem>>, vector<10000x40xf32>,
    return
  }
}

</mosaic_0001>

<sc_bundles>
// kernel: kernel.10.cloned.1.call-start
scs
__scs_entry_jumppad:
0x0: {  	(pc) =	sbr.rel $0x88, $3  }
0x1: {  	(tag) =	ssettag $0x0;
	lr =	simm.s32 $0x1  }
0x2: {  	[smem:$0x3F97] =	sst lr;
	_ =	strace $0xD0000000  }
0x3: {  	_ = 	snop  }
0x4: {  	_ = 	snop  }
0x5: {  	_ = 	snop  }
0x6: {  	_ = 	snop  }
0x7: {  	_ = 	snop  }
__scs_overlays_trampoline_lowered:
0x8: {  	[smem:$0x3FA6] =	sst s0  }
0x9: {  	[smem:$0x3FA7] =	sst s1  }
0xa: {  	[smem:$0x3FA8] =	sst s2  }
0xb: {  	[smem:$0x3FA9] =	sst s3  }
0xc: {  	[smem:$0x3FAA] =	sst s4  }
0xd: {  	[smem:$0x3FAB] =	sst s5  }
0xe: {  	[smem:$0x3FAC] =	sst s6  }
0xf: {  	[smem:$0x3FAD] =	sst s7  }
0x10: {  	[smem:$0x3FAE] =	sst s8  }
0x11: {  	[smem:$0x3FAF] =	sst s9;
	s0 =	simm.s32 @!p0 $0x0  }
0x12: {  	s1 =	sld [smem:$0x3F95];
	s0 =	simm.s32 @p0 $0x1  }
0x13: {  	[smem:$0x3FB0] =	sst s0;
	s0 =	simm.s32 @!p1 $0x0  }
0x14: {  	s2 =	sld [smem:$0x3F94];
	s0 =	simm.s32 @p1 $0x1  }
0x15: {  	[smem:$0x3FB1] =	sst s0;
	s0 =	simm.s32 @!p2 $0x0  }
0x16: {  	s3 =	sld [smem:$0x3FDB];
	s0 =	simm.s32 @p2 $0x1  }
0x17: {  	s4 =	simm.s32 $0x1BF5;
	[smem:$0x3FB3] =	sst s0  }
0x18: {  	s0 =	sld [smem:$0x3F96];
	_ =	swait.ge [sflag:s4], $0x0  }
0x19: {  	s7 =	sld [smem:$0x3F97]  }
0x1a: {  	s8 =	sadd.s32 $0xFFFFE003, lr  }
0x1b: {  	s9 =	sadd.s32 $0xFFFFFEF7, lr;
	s5 =	simm.s32 $0xFFFFFFFF;
	p2 =	slt.u32 s8, $0xFFFFF086  }
0x1c: {  	p1 =	slt.u32 s9, $0xF7A;
	s5 =	simm.s32 @!p2 $0x0  }
0x1d: {  	s5 =	simm.s32 @p1 $0x1;
	p0 =	seq.s32 s7, s2  }
0x1e: {  	s7 =	smul.u32 @!p0 $0xF7A, s2;
	p2 =	seq.s32 @!p0 s5, $0x0  }
0x1f: {  	s9 =	smul.u32 $0xF7A, s1;
	s8 =	simm.s32 @!p0 $0x1BF5;
	p2 =	por !p2, p0  }
0x20: {  	[sflag:s8] =	ssyncset.s32 @!p0 $0xFFFFF086;
	s6 =	sadd.s32 @!p0 s3, s7;
	s7 =	simm.s32 @!p0 $0x108  }
0x21: {  	s3 =	sadd.s32 s3, s9;
	s6 =	sadd.s32 @!p0 $0x88, s6;
	s7 =	simm.s32 @p2 $0x1082  }
0x22: {  	[simem:s7], [sflag:s8] =	dma.local @!p0 [hbm:s6], $0xF7A  }
0x23: {  	s9 =	sor.u32 $0xD0000000, s2;
	s6 =	simm.s32 $0x108;
	_ =	swait.ge @!p0 [sflag:s8], $0x0  }
0x24: {  	s3 =	sadd.s32 $0x88, s3;
	s6 =	simm.s32 @!p1 $0x1082;
	[sflag:s4] =	ssyncset.s32 $0xFFFFF086  }
0x25: {  	[simem:s6], [sflag:s4] =	dma.local [hbm:s3], $0xF7A  }
0x26: {  	[smem:$0x3F97] =	sst s1;
	(tag) =	ssettag s2;
	_ =	strace s9  }
0x27: {  	s1 =	sld [smem:$0x3FA7]  }
0x28: {  	s2 =	sld [smem:$0x3FA8]  }
0x29: {  	s4 =	sld [smem:$0x3FAA]  }
0x2a: {  	p0 =	seq.s32 s5, $0x0;
	s5 =	sld [smem:$0x3FAB]  }
0x2b: {  	s6 =	sld [smem:$0x3FAC]  }
0x2c: {  	s7 =	sld [smem:$0x3FAD]  }
0x2d: {  	s3 =	simm.s32 $0x108;
	s8 =	sld [smem:$0x3FAE]  }
0x2e: {  	s3 =	simm.s32 @!p0 $0x1082;
	s9 =	sld [smem:$0x3FAF]  }
0x2f: {  	lr =	sadd.s32 s0, s3;
	s0 =	sld [smem:$0x3FA6]  }
0x30: {  	s3 =	sld [smem:$0x3FA9]  }
0x31: {  	[smem:$0x3FB2] =	sst s10  }
0x32: {  	s10 =	sld [smem:$0x3FB0];
	_ =	sdelay $0x3  }
0x33: {  	p0 =	seq.s32 s10, $0x1;
	s10 =	sld [smem:$0x3FB2];
	_ =	sdelay $0x3  }
0x34: {  	[smem:$0x3FB2] =	sst s10  }
0x35: {  	s10 =	sld [smem:$0x3FB1];
	_ =	sdelay $0x3  }
0x36: {  	p1 =	seq.s32 s10, $0x1;
	s10 =	sld [smem:$0x3FB2];
	_ =	sdelay $0x3  }
0x37: {  	[smem:$0x3FB2] =	sst s10  }
0x38: {  	s10 =	sld [smem:$0x3FB3]  }
0x39: {  	_ = 	snop;
	(pc) =	sbr.ind lr, $3  }
0x3a: {  	_ = 	snop  }
0x3b: {  	_ = 	snop  }
0x3c: {  	p2 =	seq.s32 s10, $0x1;
	s10 =	sld [smem:$0x3FB2]  }
0x3d: {  	_ =	shalt  }
0x3e: {  	_ =	shalt  }
0x3f: {  	_ =	shalt  }
0x40: {  	_ =	shalt  }
0x41: {  	_ =	shalt  }
0x42: {  	_ =	shalt  }
0x43: {  	_ =	shalt  }
0x44: {  	_ =	shalt  }
0x45: {  	_ =	shalt  }
0x46: {  	_ =	shalt  }
0x47: {  	_ =	shalt  }
0x48: {  	_ =	shalt  }
0x49: {  	_ =	shalt  }
0x4a: {  	_ =	shalt  }
0x4b: {  	_ =	shalt  }
0x4c: {  	_ =	shalt  }
0x4d: {  	_ =	shalt  }
0x4e: {  	_ =	shalt  }
0x4f: {  	_ =	shalt  }
0x50: {  	_ =	shalt  }
0x51: {  	_ =	shalt  }
0x52: {  	_ =	shalt  }
0x53: {  	_ =	shalt  }
0x54: {  	_ =	shalt  }
0x55: {  	_ =	shalt  }
0x56: {  	_ =	shalt  }
0x57: {  	_ =	shalt  }
0x58: {  	_ =	shalt  }
0x59: {  	_ =	shalt  }
0x5a: {  	_ =	shalt  }
0x5b: {  	_ =	shalt  }
0x5c: {  	_ =	shalt  }
0x5d: {  	_ =	shalt  }
0x5e: {  	_ =	shalt  }
0x5f: {  	_ =	shalt  }
0x60: {  	_ =	shalt  }
0x61: {  	_ =	shalt  }
0x62: {  	_ =	shalt  }
0x63: {  	_ =	shalt  }
0x64: {  	_ =	shalt  }
0x65: {  	_ =	shalt  }
0x66: {  	_ =	shalt  }
0x67: {  	_ =	shalt  }
0x68: {  	_ =	shalt  }
0x69: {  	_ =	shalt  }
0x6a: {  	_ =	shalt  }
0x6b: {  	_ =	shalt  }
0x6c: {  	_ =	shalt  }
0x6d: {  	_ =	shalt  }
0x6e: {  	_ =	shalt  }
0x6f: {  	_ =	shalt  }
0x70: {  	_ =	shalt  }
0x71: {  	_ =	shalt  }
0x72: {  	_ =	shalt  }
0x73: {  	_ =	shalt  }
0x74: {  	_ =	shalt  }
0x75: {  	_ =	shalt  }
0x76: {  	_ =	shalt  }
0x77: {  	_ =	shalt  }
0x78: {  	_ =	shalt  }
0x79: {  	_ =	shalt  }
0x7a: {  	_ =	shalt  }
0x7b: {  	_ =	shalt  }
0x7c: {  	_ =	shalt  }
0x7d: {  	_ =	shalt  }
0x7e: {  	_ =	shalt  }
0x7f: {  	_ =	shalt  }
0x80: {  	_ =	shalt  }
0x81: {  	_ =	shalt  }
0x82: {  	_ =	shalt  }
0x83: {  	_ =	shalt  }
0x84: {  	_ =	shalt  }
0x85: {  	_ =	shalt  }
0x86: {  	_ =	shalt  }
0x87: {  	_ =	shalt  }
.Lfunc_end0:
.L_simem_size_0:
called_computation.1_lowered:
.L_overlay_start_0:
0x88: {  	s2 =	sld [smem:$0x3FD9]  }
0x89: {  	s3 =	sld [smem:$0x3FFE];
	_ =	sdelay $0x1  }
0x8a: {  	s1 =	srdreg.scid  }
0x8b: {  	s0 =	sand.u32 $0x1, s1  }
0x8c: {  	s17 =	sshll.u32 s0, $0xA;
	s2 =	sadd.s32 s3, s2  }
0x8d: {  	s2 =	sadd.s32 s2, s17  }
0x8e: {  	[smem:$0x3FBE] =	sst s2  }
0x8f: {  	_ = 	snop  }
0x90: {  	s2 =	sld [smem:$0x3FD0];
	(tm) =	ssettm $0x1  }
0x91: {  	s18 =	sld [smem:$0x3FFB];
	_ =	sdelay $0x3  }
0x92: {  	_ =	strace s18  }
0x93: {  	s3 =	sld [smem:$0x3FFC];
	_ =	sdelay $0x3  }
0x94: {  	_ =	strace s3  }
0x95: {  	s3 =	sld [smem:$0x3FFD];
	_ =	sdelay $0x3  }
0x96: {  	_ =	strace s3  }
0x97: {  	_ =	strace $0x8FFFFFFF  }
0x98: {  	s19 =	sld [smem:$0x3FDB];
	_ =	sdelay $0x1  }
0x99: {  	s4 =	simm.s32 $_scs_section_size  }
0x9a: {  	s5 =	simm.s32 $_size__tile_overlayer_lowered;
	s6 =	simm.s32 $_tile_overlayer_lowered  }
0x9b: {  	s22 =	simm.s32 $0x1BFF;
	s21 =	sshll.u32 s6, $0x1;
	s3 =	sadd.s32 s4, s19  }
0x9c: {  	s7 =	simm.s32 $0x0;
	s20 =	sshll.u32 s5, $0x1;
	s5 =	sadd.s32 s21, s3  }
0x9d: {  	[timem:s7], [sflag:s22] =	dma.local [hbm:s5], s20  }
0x9e: {  	_ =	swait.ge [sflag:s22], s20  }
0x9f: {  	s4 =	ssub.s32 $0x0, s20;
	[sflag:s22] =	ssyncset.done $0x0  }
0xa0: {  	[sflag:s22] =	ssyncadd.s32 s4;
	_ =	sdelay $0x1  }
0xa1: {  	s23 =	simm.s32 $0x1B8B  }
0xa2: {  	_ =	swait.ge [sflag:s23], $0x1  }
0xa3: {  	[sflag:s23] =	ssyncset.done $0x0  }
0xa4: {  	s25 =	simm.s32 $0x1B8E;
	s24 =	sld [smem:$0x3FFE];
	[sflag:s23] =	ssyncadd.s32 $0xFFFFFFFF  }
0xa5: {  	s26 =	simm.s32 $execute0_lowered;
	[smem:$0x3FD2] =	sst s25  }
0xa6: {  	s5 =	sshll.u32 s26, $0x1;
	_ =	strace $0x80000049;
	[dreg:$0x1] =	wrdreg $0xFFFFFFFF  }
0xa7: {  	s28 =	simm.s32 $_size_execute0_lowered;
	s3 =	sadd.s32 s3, s5;
	[dreg:$0x0] =	wrdreg $0x0  }
0xa8: {  	s5 =	sshll.u32 s28, $0x1;
	[dreg:$0x2] =	wrdreg s3  }
0xa9: {  	[dreg:$0x3] =	wrdreg s5  }
0xaa: {  	[dreg:$0x4] =	wrdreg $0xC0  }
0xab: {  	_ =	task [dreg:s7], $0x5FFFF  }
0xac: {  	[dreg:$0x1] =	wrdreg $0xFFFFFFFF  }
0xad: {  	[dreg:$0x0] =	wrdreg $0x60  }
0xae: {  	[dreg:$0x2] =	wrdreg s24  }
0xaf: {  	[dreg:$0x3] =	wrdreg s2  }
0xb0: {  	[dreg:$0x4] =	wrdreg $0xD5700  }
0xb1: {  	[dreg:$0x5] =	wrdreg $0x9  }
0xb2: {  	_ =	task.clear_ibuf [dreg:s7], $0x6FFFF;
	_ =	strace $0x90000049  }
0xb3: {  	s29 =	simm.s32 $0x9;
	_ =	strace $0x8000004B  }
0xb4: {  	_ =	swait.ge [sflag:s29], $0x1  }
0xb5: {  	[sflag:s29] =	ssyncadd.s32 $0xFFFFFFFF  }
0xb6: {  	_ =	strace $0x9000004B  }
0xb7: {  	_ =	sfence  }
0xb8: {  	s30 =	sld [smem:$0x0];
	_ =	sdelay $0x2  }
0xb9: {  	s31 =	sshll.u32 s1, $0xD;
	s1 =	sshrl.u32 s1, $0x2  }
0xba: {  	s3 =	sand.u32 $0x4000, s31;
	s1 =	sadd.s32 s1, s30  }
0xbb: {  	s0 =	sor.u32 s3, s0;
	s1 =	sshll.u32 s1, $0x11  }
0xbc: {  	s0 =	sor.u32 s1, s0  }
0xbd: {  	s0 =	sadd.s32 $0x8F2B, s0  }
0xbe: {  	[sflag:s0] =	ssyncadd.remote.s32 $0x1  }
0xbf: {  	_ =	sfence.sel $0xFFFF  }
0xc0: {  	[dreg:$0x0] =	wrdreg $0xFFFFFFFF;
	(pc) =	sbr.abs _section_cstart, $3  }
0xc1: {  	[dreg:$0x1] =	wrdreg $0xFFFFFFFF  }
0xc2: {  	_ =	task.clear_ibuf [dreg:s7], $0x2FFFF;
	_ =	strace $0x9FFFFFFF  }
0xc3: {  	(tm) =	ssettm $0x7FFFFFFF  }
tec
execute0_lowered:
.L_overlay_start_1:
0x0: {  	(tag) =	ssettag $0x1  }
0x1: {  	s0 =	rddreg [dreg:$0x0]  }
0x2: {  	s1 =	srdreg.scid;
	s4 =	rddreg [dreg:$0x1]  }
0x3: {  	s2 =	rddreg [dreg:$0x2];
	s10 =	stileid.u32;
	s3 =	simm.s32 $0x0  }
0x4: {  	s20 =	simm.s32 $0x2;
	s21 =	simm.s32 $0x2800;
	s28 =	simm.s32 $0x1  }
0x5: {  	s29 =	simm.s32 $0xD520;
	s30 =	simm.s32 $0x0;
	s31 =	simm.s32 $0x0  }
0x6: {  	s1 =	sand.u32 $0x1, s1;
	[smem:$0x7FF] =	sst s3;
	s7 =	smul.u32 $0xF00, s10  }
0x7: {  	s22 =	sadd.s32 $0x15E00, s0;
	s23 =	sadd.s32 $0x16400, s0;
	s5 =	sshll.u32 s1, $0x4  }
0x8: {  	_ =	strace $0x8000004A;
	[dreg:$0x4] =	wrdreg s22;
	s9 =	smul.u32 $0xF000, s1  }
0x9: {  	[dreg:$0x5] =	wrdreg s23;
	s1 =	ssub.s32 $0x2, s1;
	s22 =	simm.s32 $0x7800  }
0xa: {  	s23 =	simm.s32 $0x9F10;
	s5 =	sor.u32 s10, s5;
	s10 =	smul.u32 $0x1E000, s10  }
0xb: {  	s24 =	sshrl.u32 s1, $0x1;
	s6 =	smul.u32 $0x4E2, s5;
	s7 =	sadd.s32 s7, s9  }
0xc: {  	s1 =	ssub.s32 s1, s24;
	s5 =	smul.u32 $0x500, s5;
	s24 =	simm.s32 $0x5000  }
0xd: {  	s25 =	sshrl.u32 s10, $0x2;
	s19 =	smax.u32 s1, $0x1;
	s8 =	sadd.s32 s6, s0  }
0xe: {  	s6 =	sadd.s32 $0x16A00, s0;
	s0 =	sadd.s32 s7, s0;
	s9 =	sadd.s32 s25, s2  }
0xf: {  	s17 =	sadd.s32 s4, s5;
	s25 =	simm.s32 $0xC620;
	s26 =	sadd.s32 $0xC000, s8  }
.Ltmp0:
0x10: {  	s8 =	sadd.s32 $0x2200, s8;
	s7 =	sadd.s32 $0xF00, s9;
	(pc) =	sbr.rel .LBB2_1-.Ltmp0, $4  }
0x11: {  	s11 =	sadd.s32 $0x1E00, s9;
	s12 =	sadd.s32 $0x2D00, s9;
	s13 =	sadd.s32 $0x3C00, s9  }
0x12: {  	s14 =	sadd.s32 $0x4B00, s9;
	s15 =	sadd.s32 $0x5A00, s9;
	[dreg:$0x6] =	wrdreg s26  }
0x13: {  	v0 =	vlaneseq.u32;
	s16 =	sadd.s32 $0x6900, s9;
	s18 =	sadd.s32 $0x25A00, s0;
	[dreg:$0x7] =	wrdreg s8  }
0x14: {  	v1 =	vimm.f32 $0.0e+00;
	v2 =	vor.u32 $0x10, v0;
	v3 =	vor.u32 $0x20, v0;
	[dreg:$0x8] =	wrdreg s7;
	s26 =	simm.s32 $0x50;
	s8 =	simm.s32 $0x0  }
.LBB2_13:
0x15: {  	[hbm4b:s17+s3] =	stream.linear.scatter [tilespmem:s24], [sflag:$0x2], $0x2800, $0x38;
	[tilespmem:$0x14D70] =	vst v63  }
0x16: {  	s0 =	stileid.u32;
	_ =	swait.ge [sflag:s20], $0x2800  }
0x17: {  	s1 =	sshrl.u32 s9, $0x3;
	s30 =	sadd.s32 $0x1, s30;
	[sflag:s20] =	ssyncset.done $0x0  }
0x18: {  	s0 =	sshll.u32 s0, $0x6;
	p0 =	sne.s32 s30, s19;
	[sflag:s20] =	ssyncadd.s32 $0xFFFFD800  }
.Ltmp1:
0x19: {  	s0 =	sor.u32 $0x1C02, s0;
	[bflag:$0x0] =	sbarrier.arrive $0xFFFF;
	(pc) =	sbr.rel @!p0 .LBB2_14-.Ltmp1, $4  }
0x1a: {  	[hbm:s18], [sflag:s0] =	dma.local [spmem:s1], $0xF00  }
0x1b: {  	_ =	swait.ge [sflag:s20], $0xF00  }
0x1c: {  	[sflag:s20] =	ssyncset.done $0x0  }
0x1d: {  	[sflag:s20] =	ssyncadd.s32 $0xFFFFF100  }
.LBB2_1:
0x1e: {  	s0 =	rddreg [dreg:$0x4]  }
0x1f: {  	[tilespmem:s3], [sflag:$0x2] =	stream.linear.gather [hbm4b:s0+s3], $0x2800, $0x38;
	[tilespmem:$0x14D70] =	vst v63  }
0x20: {  	_ =	swait.ge [sflag:s20], $0x2800  }
0x21: {  	[sflag:s20] =	ssyncset.done $0x0  }
0x22: {  	s5 =	rddreg [dreg:$0x5];
	[sflag:s20] =	ssyncadd.s32 $0xFFFFD800  }
0x23: {  	[tilespmem:s21], [sflag:$0x2] =	stream.linear.gather [hbm4b:s5+s3], $0x2800, $0x38;
	[tilespmem:$0x14D70] =	vst v63  }
0x24: {  	_ =	swait.ge [sflag:s20], $0x2800  }
0x25: {  	[sflag:s20] =	ssyncset.done $0x0  }
0x26: {  	s7 =	rddreg [dreg:$0x6];
	[sflag:s20] =	ssyncadd.s32 $0xFFFFD800  }
0x27: {  	[tilespmem:s22], [sflag:$0x2] =	stream.linear.gather [hbm4b:s7+s3], $0x2710, $0x38;
	[tilespmem:$0x14D70] =	vst v63  }
0x28: {  	_ =	swait.ge [sflag:s20], $0x2710  }
0x29: {  	[sflag:s20] =	ssyncset.done $0x0  }
0x2a: {  	s10 =	rddreg [dreg:$0x7];
	[sflag:s20] =	ssyncadd.s32 $0xFFFFD8F0  }
0x2b: {  	[tilespmem:s23], [sflag:$0x2] =	stream.linear.gather [hbm4b:s10+s3], $0x2710, $0x38;
	[tilespmem:$0x14D70] =	vst v63  }
0x2c: {  	_ =	swait.ge [sflag:s20], $0x2710  }
0x2d: {  	[sflag:s20] =	ssyncset.done $0x0  }
0x2e: {  	s0 =	simm.s32 $0x0;
	[sflag:s20] =	ssyncadd.s32 $0xFFFFD8F0  }
.LBB2_2:
0x2f: {  	v4 =	vor.u32 s0, v0;
	p0 =	sne.s32 s0, $0x27F0  }
.Ltmp2:
0x30: {  	_ = 	snop;
	(pc) =	sbr.rel @p0 .LBB2_2-.Ltmp2, $2  }
0x31: {  	_ =	sdelay $0x2  }
0x32: {  	s0 =	sadd.s32 $0x10, s0;
	[tilespmem:v4+s24+$0x0] =	vst.idx.msk $0xffff, v1  }
0x33: {  	s0 =	simm.s32 $0x0  }
0x34: {  	v4 =	vmov s0  }
0x35: {  	v4 =	vmul.u32 $0x30, v4;
	_ =	sdelay $0x1  }
0x36: {  	v4 =	vbroadcast v4, $0x0;
	_ =	sdelay $0x1  }
0x37: {  	s10 =	simm.s32 $0x1;
	v5 =	vor.u32 v0, v4  }
0x38: {  	v6 =	vmov s10;
	v7 =	vadd.s32 v2, v4  }
0x39: {  	v6 =	vmul.u32 $0x30, v6;
	v4 =	vadd.s32 v3, v4;
	_ =	sdelay $0x1  }
0x3a: {  	v6 =	vbroadcast v6, $0x0  }
0x3b: {  	[tilespmem:v5+s25+$0x0] =	vst.idx.msk $0xffff, v1  }
0x3c: {  	s0 =	simm.s32 $0x2;
	v5 =	vor.u32 v0, v6;
	[tilespmem:v7+s25+$0x0] =	vst.idx.msk $0xffff, v1  }
.LBB2_4:
0x3d: {  	v7 =	vmov s0;
	v8 =	vadd.s32 v2, v6;
	[tilespmem:v4+s25+$0x0] =	vst.idx.msk $0xffff, v1;
	p0 =	sne.s32 s0, $0x4F  }
.Ltmp3:
0x3e: {  	v4 =	vadd.s32 v3, v6;
	v7 =	vmul.u32 $0x30, v7;
	(pc) =	sbr.rel @p0 .LBB2_4-.Ltmp3, $4  }
0x3f: {  	s0 =	sadd.s32 $0x1, s0  }
0x40: {  	v6 =	vbroadcast v7, $0x0  }
0x41: {  	[tilespmem:v5+s25+$0x0] =	vst.idx.msk $0xffff, v1  }
0x42: {  	v5 =	vor.u32 v0, v6;
	[tilespmem:v8+s25+$0x0] =	vst.idx.msk $0xffff, v1  }
0x43: {  	_ = 	snop  }
0x44: {  	v7 =	vadd.s32 v2, v6  }
0x45: {  	v63 =	vadd.s32 v3, v6;
	_ =	sdelay $0x1  }
0x46: {  	[tilespmem:v4+s25+$0x0] =	vst.idx.msk $0xffff, v1  }
0x47: {  	[tilespmem:v5+s25+$0x0] =	vst.idx.msk $0xffff, v1  }
0x48: {  	[tilespmem:v7+s25+$0x0] =	vst.idx.msk $0xffff, v1  }
0x49: {  	[tilespmem:v63+s25+$0x0] =	vst.idx.msk $0xffff, v1  }
0x4a: {  	[spmem:s9] =	stream.linear.scatter [tilespmem:s25], [sflag:$0x2], $0xF00, $0x38;
	[tilespmem:$0x14D70] =	vst v63  }
0x4b: {  	_ =	swait.ge [sflag:s20], $0xF00  }
0x4c: {  	[sflag:s20] =	ssyncset.done $0x0  }
0x4d: {  	s0 =	rddreg [dreg:$0x8];
	[sflag:s20] =	ssyncadd.s32 $0xFFFFF100  }
0x4e: {  	[spmem:s0] =	stream.linear.scatter [tilespmem:s25], [sflag:$0x2], $0xF00, $0x38;
	[tilespmem:$0x14D70] =	vst v63  }
0x4f: {  	_ =	swait.ge [sflag:s20], $0xF00  }
0x50: {  	[sflag:s20] =	ssyncset.done $0x0  }
0x51: {  	[sflag:s20] =	ssyncadd.s32 $0xFFFFF100  }
0x52: {  	[spmem:s11] =	stream.linear.scatter [tilespmem:s25], [sflag:$0x2], $0xF00, $0x38;
	[tilespmem:$0x14D70] =	vst v63  }
0x53: {  	_ =	swait.ge [sflag:s20], $0xF00  }
0x54: {  	[sflag:s20] =	ssyncset.done $0x0  }
0x55: {  	[sflag:s20] =	ssyncadd.s32 $0xFFFFF100  }
0x56: {  	[spmem:s12] =	stream.linear.scatter [tilespmem:s25], [sflag:$0x2], $0xF00, $0x38;
	[tilespmem:$0x14D70] =	vst v63  }
0x57: {  	_ =	swait.ge [sflag:s20], $0xF00  }
0x58: {  	[sflag:s20] =	ssyncset.done $0x0  }
0x59: {  	[sflag:s20] =	ssyncadd.s32 $0xFFFFF100  }
0x5a: {  	[spmem:s13] =	stream.linear.scatter [tilespmem:s25], [sflag:$0x2], $0xF00, $0x38;
	[tilespmem:$0x14D70] =	vst v63  }
0x5b: {  	_ =	swait.ge [sflag:s20], $0xF00  }
0x5c: {  	[sflag:s20] =	ssyncset.done $0x0  }
0x5d: {  	[sflag:s20] =	ssyncadd.s32 $0xFFFFF100  }
0x5e: {  	[spmem:s14] =	stream.linear.scatter [tilespmem:s25], [sflag:$0x2], $0xF00, $0x38;
	[tilespmem:$0x14D70] =	vst v63  }
0x5f: {  	_ =	swait.ge [sflag:s20], $0xF00  }
0x60: {  	[sflag:s20] =	ssyncset.done $0x0  }
0x61: {  	[sflag:s20] =	ssyncadd.s32 $0xFFFFF100  }
0x62: {  	[spmem:s15] =	stream.linear.scatter [tilespmem:s25], [sflag:$0x2], $0xF00, $0x38;
	[tilespmem:$0x14D70] =	vst v63  }
0x63: {  	_ =	swait.ge [sflag:s20], $0xF00  }
0x64: {  	[sflag:s20] =	ssyncset.done $0x0  }
0x65: {  	[sflag:s20] =	ssyncadd.s32 $0xFFFFF100  }
0x66: {  	[spmem:s16] =	stream.linear.scatter [tilespmem:s25], [sflag:$0x2], $0xF00, $0x38;
	[tilespmem:$0x14D70] =	vst v63  }
0x67: {  	_ =	swait.ge [sflag:s20], $0xF00  }
0x68: {  	[sflag:s20] =	ssyncset.done $0x0  }
0x69: {  	[sflag:s20] =	ssyncadd.s32 $0xFFFFF100  }
0x6a: {  	s1 =	simm.s32 $0x0;
	s0 =	simm.s32 $0x0;
	[bflag:$0x0] =	sbarrier.arrive $0xFFFF  }
.LBB2_6:
0x6b: {  	s4 =	smul.u32 $0x50, s1  }
0x6c: {  	s5 =	sadd.s32 $0x0, s0  }
0x6d: {  	v5 =	vor.u32 s5, v0;
	s7 =	sadd.s32 $0x7800, s4  }
0x6e: {  	[tilespmem:s25], [sflag:$0x1] =	stream.indirect.gather [hbm4b:s6+s26], $0x30, s7, s26, $0xb8;
	[tilespmem:$0x14D70] =	vst v63  }
0x6f: {  	_ =	swait.ge [sflag:s28], $0xF00  }
0x70: {  	[sflag:s28] =	ssyncset.done $0x0  }
0x71: {  	[sflag:s28] =	ssyncadd.s32 $0xFFFFF100  }
0x72: {  	v4 =	vld.idx.msk [tilespmem:v5+s23+$0x0], $0xffff  }
0x73: {  	v5 =	vld.idx.msk [tilespmem:v5+s22+$0x0], $0xffff;
	_ =	sdelay $0x6  }
0x74: {  	v6 =	vld.idx.msk [tilespmem:v4+s21+$0x0], $0xffff  }
0x75: {  	v5 =	vld.idx.msk [tilespmem:v5+s31+$0x0], $0xffff;
	_ =	sdelay $0x4  }
0x76: {  	v5 =	vadd.f32 v6, v5;
	_ =	sdelay $0x1  }
0x77: {  	v6 =	vmul.f32 $2.000000030e-01, v5  }
0x78: {  	vm0 =	vge.f32 v5, $0.0e+00  }
0x79: {  	v5 =	vsel vm0, v5, v6  }
0x7a: {  	v5 =	vmul.f32 $1.442695020e+00, v5;
	_ =	sdelay $0x1  }
0x7b: {  	(erf) = vpow2.f32 v5;
	_ =	sdelay $0x5  }
0x7c: {  	s10 =	sadd.s32 $0x10, s0;
	v6 =	vor.u32 s31, v0  }
0x7d: {  	v5 =	vor.u32 s10, v0  }
0x7e: {  	s5 =	simm.s32 $0x10;
	s7 =	simm.s32 $0x20  }
.LBB2_7:
0x7f: {  	p0 =	sne.s32 s7, $0x40;
	v7 =	vpop (erf)  }
0x80: {  	[tilespmem:v4+s24+$0x0] =	vst.idx.add.f32.msk $0xffff, v7  }
0x81: {  	[tilespmem:v6+s29+$0x0] =	vst.idx.msk $0xffff, v7  }
0x82: {  	v4 =	vld.idx.msk [tilespmem:v5+s23+$0x0], $0xffff  }
0x83: {  	v5 =	vld.idx.msk [tilespmem:v5+s22+$0x0], $0xffff;
	_ =	sdelay $0x6  }
0x84: {  	v6 =	vld.idx.msk [tilespmem:v4+s21+$0x0], $0xffff  }
0x85: {  	v5 =	vld.idx.msk [tilespmem:v5+s8+$0x0], $0xffff;
	_ =	sdelay $0x5  }
0x86: {  	v5 =	vadd.f32 v6, v5;
	_ =	sdelay $0x1  }
0x87: {  	v6 =	vmul.f32 $2.000000030e-01, v5  }
0x88: {  	vm0 =	vge.f32 v5, $0.0e+00  }
0x89: {  	v5 =	vsel vm0, v5, v6  }
0x8a: {  	v5 =	vmul.f32 $1.442695020e+00, v5;
	_ =	sdelay $0x1  }
0x8b: {  	(erf) = vpow2.f32 v5;
	_ =	sdelay $0x3  }
.Ltmp4:
0x8c: {  	(pc) =	sbr.rel @p0 .LBB2_7-.Ltmp4, $4  }
0x8d: {  	_ = 	snop  }
0x8e: {  	s10 =	sadd.s32 s7, s0;
	v6 =	vor.u32 s5, v0;
	s5 =	smov.u32 s7  }
0x8f: {  	v5 =	vor.u32 s10, v0  }
0x90: {  	s7 =	sadd.s32 $0x10, s7  }
0x91: {  	_ =	sdelay $0x2  }
0x92: {  	v7 =	vpop (erf)  }
0x93: {  	[tilespmem:v4+s24+$0x0] =	vst.idx.add.f32.msk $0xffff, v7  }
0x94: {  	[tilespmem:v6+s29+$0x0] =	vst.idx.msk $0xffff, v7  }
0x95: {  	v7 =	vld.idx.msk [tilespmem:v5+s23+$0x0], $0xffff  }
0x96: {  	v4 =	vld.idx.msk [tilespmem:v5+s22+$0x0], $0xffff;
	_ =	sdelay $0x6  }
0x97: {  	v5 =	vld.idx.msk [tilespmem:v7+s21+$0x0], $0xffff  }
0x98: {  	v4 =	vld.idx.msk [tilespmem:v4+s8+$0x0], $0xffff;
	_ =	sdelay $0x4  }
0x99: {  	v4 =	vadd.f32 v5, v4;
	_ =	sdelay $0x1  }
0x9a: {  	v5 =	vmul.f32 $2.000000030e-01, v4  }
0x9b: {  	vm0 =	vge.f32 v4, $0.0e+00  }
0x9c: {  	v4 =	vsel vm0, v4, v5  }
0x9d: {  	v4 =	vmul.f32 $1.442695020e+00, v4;
	_ =	sdelay $0x1  }
0x9e: {  	(erf) = vpow2.f32 v4;
	_ =	sdelay $0x5  }
0x9f: {  	p1 =	por $0x1, $0x1;
	v5 =	vor.u32 s5, v0  }
.Ltmp5:
0xa0: {  	_ = 	snop;
	(pc) =	sbr.rel @!p1 .LBB2_9-.Ltmp5, $4  }
0xa1: {  	v6 =	vmov s8  }
0xa2: {  	v4 =	vmul.u32 $0x30, v6;
	v8 =	vpop (erf)  }
0xa3: {  	[tilespmem:v7+s24+$0x0] =	vst.idx.add.f32.msk $0xffff, v8  }
0xa4: {  	p0 =	por $0x0, $0x0;
	s5 =	simm.s32 $0x1;
	[tilespmem:v5+s29+$0x0] =	vst.idx.msk $0xffff, v8;
	v5 =	vor.u32 v0, v4  }
0xa5: {  	_ =	sdelay $0x3  }
0xa6: {  	v8 =	vld.idx.msk [tilespmem:v6+s29+$0x0], $0xffff  }
0xa7: {  	v6 =	vld.idx.msk [tilespmem:v5+s25+$0x0], $0xffff;
	_ =	sdelay $0x2  }
0xa8: {  	v9 =	vadd.s32 v2, v4;
	_ =	sdelay $0x1  }
0xa9: {  	v6 =	vmul.f32 v6, v8;
	_ =	sdelay $0x1  }
0xaa: {  	[tilespmem:v5+s25+$0x0] =	vst.idx.msk $0xffff, v6  }
0xab: {  	v5 =	vld.idx.msk [tilespmem:v9+s25+$0x0], $0xffff;
	_ =	sdelay $0x2  }
0xac: {  	v7 =	vadd.s32 v3, v4;
	_ =	sdelay $0x1  }
0xad: {  	v4 =	vmul.f32 v5, v8;
	_ =	sdelay $0x1  }
0xae: {  	[tilespmem:v9+s25+$0x0] =	vst.idx.msk $0xffff, v4  }
0xaf: {  	p1 =	por $0x1, $0x1;
	v9 =	vld.idx.msk [tilespmem:v7+s25+$0x0], $0xffff  }
.Ltmp6:
0xb0: {  	v6 =	vmov s5;
	(pc) =	sbr.rel @!p1 .LBB2_12-.Ltmp6, $3  }
0xb1: {  	v4 =	vmul.u32 $0x30, v6;
	_ =	sdelay $0x1  }
0xb2: {  	v5 =	vor.u32 v0, v4  }
0xb3: {  	p0 =	por $0x1, $0x1;
	s5 =	simm.s32 $0x2;
	v8 =	vmul.f32 v9, v8  }
.LBB2_11:
0xb4: {  	_ = 	snop  }
0xb5: {  	p1 =	sne.s32 s5, $0x4F;
	s7 =	smov.u32 s5;
	s5 =	sadd.s32 $0x1, s5;
	[tilespmem:v7+s25+$0x0] =	vst.idx.msk $0xffff, v8  }
0xb6: {  	v8 =	vld.idx.msk [tilespmem:v6+s29+$0x0], $0xffff  }
0xb7: {  	v6 =	vld.idx.msk [tilespmem:v5+s25+$0x0], $0xffff;
	_ =	sdelay $0x3  }
0xb8: {  	v9 =	vadd.s32 v2, v4;
	_ =	sdelay $0x1  }
0xb9: {  	v6 =	vmul.f32 v6, v8;
	_ =	sdelay $0x1  }
0xba: {  	[tilespmem:v5+s25+$0x0] =	vst.idx.msk $0xffff, v6  }
0xbb: {  	v5 =	vld.idx.msk [tilespmem:v9+s25+$0x0], $0xffff;
	_ =	sdelay $0x3  }
0xbc: {  	v7 =	vadd.s32 v3, v4;
	_ =	sdelay $0x1  }
0xbd: {  	v4 =	vmul.f32 v5, v8;
	_ =	sdelay $0x1  }
0xbe: {  	[tilespmem:v9+s25+$0x0] =	vst.idx.msk $0xffff, v4  }
0xbf: {  	v9 =	vld.idx.msk [tilespmem:v7+s25+$0x0], $0xffff;
	_ =	sdelay $0x1  }
.Ltmp7:
0xc0: {  	v6 =	vmov s7;
	(pc) =	sbr.rel @p1 .LBB2_11-.Ltmp7, $3  }
0xc1: {  	v4 =	vmul.u32 $0x30, v6;
	_ =	sdelay $0x1  }
0xc2: {  	v5 =	vor.u32 v0, v4  }
0xc3: {  	v8 =	vmul.f32 v9, v8  }
.LBB2_12:
0xc4: {  	_ =	sdelay $0x3  }
0xc5: {  	[tilespmem:v7+s25+$0x0] =	vst.idx.msk @p0 $0xffff, v8  }
0xc6: {  	v6 =	vld.idx.msk [tilespmem:v6+s29+$0x0], $0xffff  }
0xc7: {  	v7 =	vld.idx.msk [tilespmem:v5+s25+$0x0], $0xffff;
	_ =	sdelay $0x2  }
0xc8: {  	v63 =	vadd.s32 v2, v4;
	_ =	sdelay $0x1  }
0xc9: {  	v7 =	vmul.f32 v7, v6;
	_ =	sdelay $0x1  }
0xca: {  	[tilespmem:v5+s25+$0x0] =	vst.idx.msk $0xffff, v7  }
0xcb: {  	v5 =	vld.idx.msk [tilespmem:v63+s25+$0x0], $0xffff;
	_ =	sdelay $0x2  }
0xcc: {  	v4 =	vadd.s32 v3, v4;
	_ =	sdelay $0x1  }
0xcd: {  	v5 =	vmul.f32 v5, v6;
	_ =	sdelay $0x1  }
0xce: {  	[tilespmem:v63+s25+$0x0] =	vst.idx.msk $0xffff, v5  }
0xcf: {  	v5 =	vld.idx.msk [tilespmem:v4+s25+$0x0], $0xffff;
	_ =	sdelay $0x4  }
0xd0: {  	v5 =	vmul.f32 v5, v6  }
0xd1: {  	s1 =	sadd.s32 $0x1, s1  }
0xd2: {  	s4 =	sadd.s32 $0x9F10, s4;
	p0 =	sne.s32 s1, $0x7D;
	[tilespmem:v4+s25+$0x0] =	vst.idx.msk $0xffff, v5  }
0xd3: {  	[spmem:s2] =	stream.indirect.scatter.add.f32 [tilespmem:s25], [sflag:$0x2], $0x30, s4, s26, $0xb8;
	[tilespmem:$0x14D70] =	vst v63  }
.Ltmp8:
0xd4: {  	_ = 	snop;
	(pc) =	sbr.rel @p0 .LBB2_6-.Ltmp8, $4  }
.Ltmp9:
0xd5: {  	_ = 	snop;
	(pc) =	sbr.rel @!p0 .LBB2_13-.Ltmp9, $4  }
0xd6: {  	_ =	swait.ge [sflag:s20], $0xF00  }
0xd7: {  	[sflag:s20] =	ssyncset.done $0x0  }
0xd8: {  	s0 =	sadd.s32 $0x50, s0;
	[sflag:s20] =	ssyncadd.s32 $0xFFFFF100  }
0xd9: {  	_ = 	snop  }
.LBB2_9:
.Ltmp10:
0xda: {  	(pc) =	sbr.rel .LBB2_12-.Ltmp10, $2  }
0xdb: {  	_ =	sdelay $0x2  }
0xdc: {  	_ = 	snop  }
.LBB2_14:
0xdd: {  	_ =	sfence.sel $0x180000  }
0xde: {  	[bflag:$0x0] =	sbarrier.arrive $0xFFFF  }
0xdf: {  	_ =	strace $0x9000004A  }
0xe0: {  	s0 =	stileid.u32;
	[bflag:$0x2] =	sbarrier.arrive $0xFFFF  }
0xe1: {  	p0 =	sne.s32 s0, $0x0;
	s0 =	rddreg [dreg:$0x3]  }
0xe2: {  	s0 =	sadd.s32 @!p0 $0x100000, s0  }
0xe3: {  	[sflag:s0] =	ssyncadd.tile.s32 @!p0 $0x1;
	_ =	shalt  }
.Lfunc_end2:
_tile_overlayer_lowered:
.L_overlay_start_2:
0xe4: {  	(tag) =	ssettag $0x2  }
0xe5: {  	s0 =	rddreg [dreg:$0x0];
	s2 =	stileid.u32  }
0xe6: {  	s1 =	rddreg [dreg:$0x1];
	p0 =	sne.s32 s2, $0x0  }
0xe7: {  	s3 =	rddreg [dreg:$0x2];
	[bflag:$0x3] =	sbarrier.arrive $0xFFFF;
	s2 =	simm.s32 @!p0 $0x1C02  }
0xe8: {  	[timem:s3], [sflag:s2] =	dma.local @!p0 [hbm:s0], s1  }
0xe9: {  	s0 =	simm.s32 @!p0 $0x2  }
0xea: {  	_ =	swait.ge @!p0 [sflag:s0], s1  }
0xeb: {  	s1 =	ssub.s32 @!p0 $0x0, s1;
	[sflag:s0] =	ssyncset.done @!p0 $0x0  }
0xec: {  	[sflag:s0] =	ssyncadd.s32 @!p0 s1  }
0xed: {  	[bflag:$0x3] =	sbarrier.arrive $0xFFFF  }
0xee: {  	_ =	shalt  }

// kernel: kernel.7.cloned.1.call-start
scs
__scs_entry_jumppad:
0x0: {  	(pc) =	sbr.rel $0x88, $3  }
0x1: {  	(tag) =	ssettag $0x0;
	lr =	simm.s32 $0x1  }
0x2: {  	[smem:$0x3F97] =	sst lr;
	_ =	strace $0xD0000000  }
0x3: {  	_ = 	snop  }
0x4: {  	_ = 	snop  }
0x5: {  	_ = 	snop  }
0x6: {  	_ = 	snop  }
0x7: {  	_ = 	snop  }
__scs_overlays_trampoline_lowered:
0x8: {  	[smem:$0x3FA6] =	sst s0  }
0x9: {  	[smem:$0x3FA7] =	sst s1  }
0xa: {  	[smem:$0x3FA8] =	sst s2  }
0xb: {  	[smem:$0x3FA9] =	sst s3  }
0xc: {  	[smem:$0x3FAA] =	sst s4  }
0xd: {  	[smem:$0x3FAB] =	sst s5  }
0xe: {  	[smem:$0x3FAC] =	sst s6  }
0xf: {  	[smem:$0x3FAD] =	sst s7  }
0x10: {  	[smem:$0x3FAE] =	sst s8  }
0x11: {  	[smem:$0x3FAF] =	sst s9;
	s0 =	simm.s32 @!p0 $0x0  }
0x12: {  	s1 =	sld [smem:$0x3F95];
	s0 =	simm.s32 @p0 $0x1  }
0x13: {  	[smem:$0x3FB0] =	sst s0;
	s0 =	simm.s32 @!p1 $0x0  }
0x14: {  	s2 =	sld [smem:$0x3F94];
	s0 =	simm.s32 @p1 $0x1  }
0x15: {  	[smem:$0x3FB1] =	sst s0;
	s0 =	simm.s32 @!p2 $0x0  }
0x16: {  	s3 =	sld [smem:$0x3FDB];
	s0 =	simm.s32 @p2 $0x1  }
0x17: {  	s4 =	simm.s32 $0x1BF5;
	[smem:$0x3FB3] =	sst s0  }
0x18: {  	s0 =	sld [smem:$0x3F96];
	_ =	swait.ge [sflag:s4], $0x0  }
0x19: {  	s7 =	sld [smem:$0x3F97]  }
0x1a: {  	s8 =	sadd.s32 $0xFFFFE003, lr  }
0x1b: {  	s9 =	sadd.s32 $0xFFFFFEF7, lr;
	s5 =	simm.s32 $0xFFFFFFFF;
	p2 =	slt.u32 s8, $0xFFFFF086  }
0x1c: {  	p1 =	slt.u32 s9, $0xF7A;
	s5 =	simm.s32 @!p2 $0x0  }
0x1d: {  	s5 =	simm.s32 @p1 $0x1;
	p0 =	seq.s32 s7, s2  }
0x1e: {  	s7 =	smul.u32 @!p0 $0xF7A, s2;
	p2 =	seq.s32 @!p0 s5, $0x0  }
0x1f: {  	s9 =	smul.u32 $0xF7A, s1;
	s8 =	simm.s32 @!p0 $0x1BF5;
	p2 =	por !p2, p0  }
0x20: {  	[sflag:s8] =	ssyncset.s32 @!p0 $0xFFFFF086;
	s6 =	sadd.s32 @!p0 s3, s7;
	s7 =	simm.s32 @!p0 $0x108  }
0x21: {  	s3 =	sadd.s32 s3, s9;
	s6 =	sadd.s32 @!p0 $0x88, s6;
	s7 =	simm.s32 @p2 $0x1082  }
0x22: {  	[simem:s7], [sflag:s8] =	dma.local @!p0 [hbm:s6], $0xF7A  }
0x23: {  	s9 =	sor.u32 $0xD0000000, s2;
	s6 =	simm.s32 $0x108;
	_ =	swait.ge @!p0 [sflag:s8], $0x0  }
0x24: {  	s3 =	sadd.s32 $0x88, s3;
	s6 =	simm.s32 @!p1 $0x1082;
	[sflag:s4] =	ssyncset.s32 $0xFFFFF086  }
0x25: {  	[simem:s6], [sflag:s4] =	dma.local [hbm:s3], $0xF7A  }
0x26: {  	[smem:$0x3F97] =	sst s1;
	(tag) =	ssettag s2;
	_ =	strace s9  }
0x27: {  	s1 =	sld [smem:$0x3FA7]  }
0x28: {  	s2 =	sld [smem:$0x3FA8]  }
0x29: {  	s4 =	sld [smem:$0x3FAA]  }
0x2a: {  	p0 =	seq.s32 s5, $0x0;
	s5 =	sld [smem:$0x3FAB]  }
0x2b: {  	s6 =	sld [smem:$0x3FAC]  }
0x2c: {  	s7 =	sld [smem:$0x3FAD]  }
0x2d: {  	s3 =	simm.s32 $0x108;
	s8 =	sld [smem:$0x3FAE]  }
0x2e: {  	s3 =	simm.s32 @!p0 $0x1082;
	s9 =	sld [smem:$0x3FAF]  }
0x2f: {  	lr =	sadd.s32 s0, s3;
	s0 =	sld [smem:$0x3FA6]  }
0x30: {  	s3 =	sld [smem:$0x3FA9]  }
0x31: {  	[smem:$0x3FB2] =	sst s10  }
0x32: {  	s10 =	sld [smem:$0x3FB0];
	_ =	sdelay $0x3  }
0x33: {  	p0 =	seq.s32 s10, $0x1;
	s10 =	sld [smem:$0x3FB2];
	_ =	sdelay $0x3  }
0x34: {  	[smem:$0x3FB2] =	sst s10  }
0x35: {  	s10 =	sld [smem:$0x3FB1];
	_ =	sdelay $0x3  }
0x36: {  	p1 =	seq.s32 s10, $0x1;
	s10 =	sld [smem:$0x3FB2];
	_ =	sdelay $0x3  }
0x37: {  	[smem:$0x3FB2] =	sst s10  }
0x38: {  	s10 =	sld [smem:$0x3FB3]  }
0x39: {  	_ = 	snop;
	(pc) =	sbr.ind lr, $3  }
0x3a: {  	_ = 	snop  }
0x3b: {  	_ = 	snop  }
0x3c: {  	p2 =	seq.s32 s10, $0x1;
	s10 =	sld [smem:$0x3FB2]  }
0x3d: {  	_ =	shalt  }
0x3e: {  	_ =	shalt  }
0x3f: {  	_ =	shalt  }
0x40: {  	_ =	shalt  }
0x41: {  	_ =	shalt  }
0x42: {  	_ =	shalt  }
0x43: {  	_ =	shalt  }
0x44: {  	_ =	shalt  }
0x45: {  	_ =	shalt  }
0x46: {  	_ =	shalt  }
0x47: {  	_ =	shalt  }
0x48: {  	_ =	shalt  }
0x49: {  	_ =	shalt  }
0x4a: {  	_ =	shalt  }
0x4b: {  	_ =	shalt  }
0x4c: {  	_ =	shalt  }
0x4d: {  	_ =	shalt  }
0x4e: {  	_ =	shalt  }
0x4f: {  	_ =	shalt  }
0x50: {  	_ =	shalt  }
0x51: {  	_ =	shalt  }
0x52: {  	_ =	shalt  }
0x53: {  	_ =	shalt  }
0x54: {  	_ =	shalt  }
0x55: {  	_ =	shalt  }
0x56: {  	_ =	shalt  }
0x57: {  	_ =	shalt  }
0x58: {  	_ =	shalt  }
0x59: {  	_ =	shalt  }
0x5a: {  	_ =	shalt  }
0x5b: {  	_ =	shalt  }
0x5c: {  	_ =	shalt  }
0x5d: {  	_ =	shalt  }
0x5e: {  	_ =	shalt  }
0x5f: {  	_ =	shalt  }
0x60: {  	_ =	shalt  }
0x61: {  	_ =	shalt  }
0x62: {  	_ =	shalt  }
0x63: {  	_ =	shalt  }
0x64: {  	_ =	shalt  }
0x65: {  	_ =	shalt  }
0x66: {  	_ =	shalt  }
0x67: {  	_ =	shalt  }
0x68: {  	_ =	shalt  }
0x69: {  	_ =	shalt  }
0x6a: {  	_ =	shalt  }
0x6b: {  	_ =	shalt  }
0x6c: {  	_ =	shalt  }
0x6d: {  	_ =	shalt  }
0x6e: {  	_ =	shalt  }
0x6f: {  	_ =	shalt  }
0x70: {  	_ =	shalt  }
0x71: {  	_ =	shalt  }
0x72: {  	_ =	shalt  }
0x73: {  	_ =	shalt  }
0x74: {  	_ =	shalt  }
0x75: {  	_ =	shalt  }
0x76: {  	_ =	shalt  }
0x77: {  	_ =	shalt  }
0x78: {  	_ =	shalt  }
0x79: {  	_ =	shalt  }
0x7a: {  	_ =	shalt  }
0x7b: {  	_ =	shalt  }
0x7c: {  	_ =	shalt  }
0x7d: {  	_ =	shalt  }
0x7e: {  	_ =	shalt  }
0x7f: {  	_ =	shalt  }
0x80: {  	_ =	shalt  }
0x81: {  	_ =	shalt  }
0x82: {  	_ =	shalt  }
0x83: {  	_ =	shalt  }
0x84: {  	_ =	shalt  }
0x85: {  	_ =	shalt  }
0x86: {  	_ =	shalt  }
0x87: {  	_ =	shalt  }
.Lfunc_end0:
.L_simem_size_0:
called_computation_lowered:
.L_overlay_start_0:
0x88: {  	s2 =	sld [smem:$0x3FD9]  }
0x89: {  	s3 =	sld [smem:$0x3FFE];
	_ =	sdelay $0x1  }
0x8a: {  	s1 =	srdreg.scid  }
0x8b: {  	s0 =	sand.u32 $0x1, s1  }
0x8c: {  	s17 =	sshll.u32 s0, $0xA;
	s2 =	sadd.s32 s3, s2  }
0x8d: {  	s2 =	sadd.s32 s2, s17  }
0x8e: {  	[smem:$0x3FBE] =	sst s2  }
0x8f: {  	_ = 	snop  }
0x90: {  	s2 =	sld [smem:$0x3FD0];
	(tm) =	ssettm $0x1  }
0x91: {  	s18 =	sld [smem:$0x3FFB];
	_ =	sdelay $0x3  }
0x92: {  	_ =	strace s18  }
0x93: {  	s3 =	sld [smem:$0x3FFC];
	_ =	sdelay $0x3  }
0x94: {  	_ =	strace s3  }
0x95: {  	s3 =	sld [smem:$0x3FFD];
	_ =	sdelay $0x3  }
0x96: {  	_ =	strace s3  }
0x97: {  	_ =	strace $0x8FFFFFFF  }
0x98: {  	s19 =	sld [smem:$0x3FDB];
	_ =	sdelay $0x1  }
0x99: {  	s4 =	simm.s32 $_scs_section_size  }
0x9a: {  	s5 =	simm.s32 $_size__tile_overlayer_lowered;
	s6 =	simm.s32 $_tile_overlayer_lowered  }
0x9b: {  	s22 =	simm.s32 $0x1BFF;
	s21 =	sshll.u32 s6, $0x1;
	s3 =	sadd.s32 s4, s19  }
0x9c: {  	s7 =	simm.s32 $0x0;
	s20 =	sshll.u32 s5, $0x1;
	s5 =	sadd.s32 s21, s3  }
0x9d: {  	[timem:s7], [sflag:s22] =	dma.local [hbm:s5], s20  }
0x9e: {  	_ =	swait.ge [sflag:s22], s20  }
0x9f: {  	s4 =	ssub.s32 $0x0, s20;
	[sflag:s22] =	ssyncset.done $0x0  }
0xa0: {  	[sflag:s22] =	ssyncadd.s32 s4;
	_ =	sdelay $0x1  }
0xa1: {  	s23 =	simm.s32 $0x1B8B  }
0xa2: {  	_ =	swait.ge [sflag:s23], $0x1  }
0xa3: {  	[sflag:s23] =	ssyncset.done $0x0  }
0xa4: {  	s25 =	simm.s32 $0x1B8E;
	s24 =	sld [smem:$0x3FFE];
	[sflag:s23] =	ssyncadd.s32 $0xFFFFFFFF  }
0xa5: {  	s26 =	simm.s32 $execute0_lowered;
	[smem:$0x3FD2] =	sst s25  }
0xa6: {  	s5 =	sshll.u32 s26, $0x1;
	_ =	strace $0x80000046;
	[dreg:$0x1] =	wrdreg $0xFFFFFFFF  }
0xa7: {  	s28 =	simm.s32 $_size_execute0_lowered;
	s3 =	sadd.s32 s3, s5;
	[dreg:$0x0] =	wrdreg $0x0  }
0xa8: {  	s5 =	sshll.u32 s28, $0x1;
	[dreg:$0x2] =	wrdreg s3  }
0xa9: {  	[dreg:$0x3] =	wrdreg s5  }
0xaa: {  	[dreg:$0x4] =	wrdreg $0xC0  }
0xab: {  	_ =	task [dreg:s7], $0x5FFFF  }
0xac: {  	[dreg:$0x1] =	wrdreg $0xFFFFFFFF  }
0xad: {  	[dreg:$0x0] =	wrdreg $0x60  }
0xae: {  	[dreg:$0x2] =	wrdreg s24  }
0xaf: {  	[dreg:$0x3] =	wrdreg s2  }
0xb0: {  	[dreg:$0x4] =	wrdreg $0x126B00  }
0xb1: {  	[dreg:$0x5] =	wrdreg $0x9  }
0xb2: {  	_ =	task.clear_ibuf [dreg:s7], $0x6FFFF;
	_ =	strace $0x90000046  }
0xb3: {  	s29 =	simm.s32 $0x9;
	_ =	strace $0x80000048  }
0xb4: {  	_ =	swait.ge [sflag:s29], $0x1  }
0xb5: {  	[sflag:s29] =	ssyncadd.s32 $0xFFFFFFFF  }
0xb6: {  	_ =	strace $0x90000048  }
0xb7: {  	_ =	sfence  }
0xb8: {  	s30 =	sld [smem:$0x0];
	_ =	sdelay $0x2  }
0xb9: {  	s31 =	sshll.u32 s1, $0xD;
	s1 =	sshrl.u32 s1, $0x2  }
0xba: {  	s3 =	sand.u32 $0x4000, s31;
	s1 =	sadd.s32 s1, s30  }
0xbb: {  	s0 =	sor.u32 s3, s0;
	s1 =	sshll.u32 s1, $0x11  }
0xbc: {  	s0 =	sor.u32 s1, s0  }
0xbd: {  	s0 =	sadd.s32 $0x8F2B, s0  }
0xbe: {  	[sflag:s0] =	ssyncadd.remote.s32 $0x1  }
0xbf: {  	_ =	sfence.sel $0xFFFF  }
0xc0: {  	[dreg:$0x0] =	wrdreg $0xFFFFFFFF;
	(pc) =	sbr.abs _section_cstart, $3  }
0xc1: {  	[dreg:$0x1] =	wrdreg $0xFFFFFFFF  }
0xc2: {  	_ =	task.clear_ibuf [dreg:s7], $0x2FFFF;
	_ =	strace $0x9FFFFFFF  }
0xc3: {  	(tm) =	ssettm $0x7FFFFFFF  }
tec
execute0_lowered:
.L_overlay_start_1:
0x0: {  	(tag) =	ssettag $0x1  }
0x1: {  	s0 =	rddreg [dreg:$0x0];
	s12 =	stileid.u32  }
0x2: {  	s1 =	srdreg.scid;
	s5 =	rddreg [dreg:$0x1]  }
0x3: {  	s2 =	rddreg [dreg:$0x2];
	s4 =	smul.u32 $0x9C4, s12  }
0x4: {  	s3 =	simm.s32 $0x0;
	s20 =	simm.s32 $0x2;
	s7 =	smul.u32 $0x1400, s12  }
0x5: {  	s28 =	simm.s32 $0x1;
	s1 =	sand.u32 $0x1, s1;
	s11 =	smul.u32 $0x28000, s12  }
0x6: {  	s29 =	simm.s32 $0x12660;
	s30 =	simm.s32 $0x0;
	s6 =	smul.u32 $0x2710, s1  }
0x7: {  	s31 =	simm.s32 $0x0;
	[smem:$0x7FF] =	sst s3;
	s9 =	smul.u32 $0x14000, s1  }
0x8: {  	_ =	strace $0x80000047;
	s21 =	ssub.s32 $0x2, s1;
	s1 =	sshll.u32 s1, $0x4  }
0x9: {  	s10 =	sadd.s32 s4, s0;
	s4 =	sadd.s32 $0x17200, s0;
	s22 =	sshrl.u32 s21, $0x1  }
0xa: {  	s25 =	sshrl.u32 s11, $0x2;
	s1 =	sor.u32 s12, s1;
	s8 =	sshrl.u32 s6, $0x3  }
0xb: {  	s7 =	sadd.s32 s7, s9;
	s24 =	sadd.s32 $0xC000, s10;
	s26 =	sadd.s32 $0x2200, s10  }
0xc: {  	s9 =	sadd.s32 s25, s2;
	s1 =	smul.u32 $0x500, s1;
	s25 =	simm.s32 $0x11260  }
0xd: {  	s8 =	sadd.s32 s8, s0;
	s0 =	sadd.s32 s7, s0;
	[dreg:$0x6] =	wrdreg s24  }
0xe: {  	s7 =	ssub.s32 s21, s22;
	[dreg:$0x7] =	wrdreg s26;
	s11 =	sadd.s32 $0x2800, s9  }
0xf: {  	s12 =	sadd.s32 $0x3C00, s9;
	s13 =	sadd.s32 $0x5000, s9;
	s14 =	sadd.s32 $0x6400, s9  }
0x10: {  	s15 =	sadd.s32 $0x7800, s9;
	s16 =	sadd.s32 $0x8C00, s9;
	s21 =	simm.s32 $0x2710  }
.Ltmp0:
0x11: {  	s22 =	simm.s32 $0x7620;
	s24 =	simm.s32 $0x4E20;
	(pc) =	sbr.rel .LBB2_1-.Ltmp0, $4  }
0x12: {  	s26 =	simm.s32 $0x50;
	s23 =	sadd.s32 $0x15E00, s8;
	s8 =	sadd.s32 $0x16800, s8  }
0x13: {  	v1 =	vlaneseq.u32;
	s17 =	sadd.s32 s5, s1;
	s18 =	sadd.s32 $0x3E400, s0;
	[dreg:$0x4] =	wrdreg s23  }
0x14: {  	v2 =	vimm.f32 $0.0e+00;
	v3 =	vor.u32 $0x10, v1;
	s19 =	smax.u32 s7, $0x1;
	[dreg:$0x5] =	wrdreg s8;
	s8 =	sadd.s32 $0x1400, s9  }
0x15: {  	v4 =	vor.u32 $0x20, v1;
	v5 =	vor.u32 $0x30, v1;
	v0 =	vmov s6;
	s23 =	simm.s32 $0xC440;
	[dreg:$0x8] =	wrdreg s8;
	s8 =	simm.s32 $0x0  }
.LBB2_15:
0x16: {  	[hbm4b:s17+s3] =	stream.linear.scatter [tilespmem:s24], [sflag:$0x2], $0x2800, $0x38;
	[tilespmem:$0x1C6B0] =	vst v63  }
0x17: {  	s0 =	stileid.u32;
	_ =	swait.ge [sflag:s20], $0x2800  }
0x18: {  	s1 =	sshrl.u32 s9, $0x3;
	s30 =	sadd.s32 $0x1, s30;
	[sflag:s20] =	ssyncset.done $0x0  }
0x19: {  	s0 =	sshll.u32 s0, $0x6;
	p0 =	sne.s32 s30, s19;
	[sflag:s20] =	ssyncadd.s32 $0xFFFFD800  }
.Ltmp1:
0x1a: {  	s0 =	sor.u32 $0x1C02, s0;
	[bflag:$0x0] =	sbarrier.arrive $0xFFFF;
	(pc) =	sbr.rel @!p0 .LBB2_16-.Ltmp1, $4  }
0x1b: {  	[hbm:s18], [sflag:s0] =	dma.local [spmem:s1], $0x1400  }
0x1c: {  	_ =	swait.ge [sflag:s20], $0x1400  }
0x1d: {  	[sflag:s20] =	ssyncset.done $0x0  }
0x1e: {  	[sflag:s20] =	ssyncadd.s32 $0xFFFFEC00  }
.LBB2_1:
0x1f: {  	s0 =	rddreg [dreg:$0x4]  }
0x20: {  	[tilespmem:s3], [sflag:$0x2] =	stream.linear.gather [hbm4b:s0+s3], $0x2710, $0x38;
	[tilespmem:$0x1C6B0] =	vst v63  }
0x21: {  	_ =	swait.ge [sflag:s20], $0x2710  }
0x22: {  	[sflag:s20] =	ssyncset.done $0x0  }
0x23: {  	s5 =	rddreg [dreg:$0x5];
	[sflag:s20] =	ssyncadd.s32 $0xFFFFD8F0  }
0x24: {  	[tilespmem:s21], [sflag:$0x2] =	stream.linear.gather [hbm4b:s5+s3], $0x2710, $0x38;
	[tilespmem:$0x1C6B0] =	vst v63  }
0x25: {  	_ =	swait.ge [sflag:s20], $0x2710  }
0x26: {  	[sflag:s20] =	ssyncset.done $0x0  }
0x27: {  	s6 =	rddreg [dreg:$0x6];
	[sflag:s20] =	ssyncadd.s32 $0xFFFFD8F0  }
0x28: {  	[tilespmem:s22], [sflag:$0x2] =	stream.linear.gather [hbm4b:s6+s3], $0x4E20, $0x38;
	[tilespmem:$0x1C6B0] =	vst v63  }
0x29: {  	_ =	swait.ge [sflag:s20], $0x4E20  }
0x2a: {  	[sflag:s20] =	ssyncset.done $0x0  }
0x2b: {  	v6 =	vor.u32 s3, v1;
	s7 =	rddreg [dreg:$0x7];
	[sflag:s20] =	ssyncadd.s32 $0xFFFFB1E0  }
0x2c: {  	[tilespmem:s23], [sflag:$0x2] =	stream.linear.gather [hbm4b:s7+s3], $0x4E20, $0x38;
	[tilespmem:$0x1C6B0] =	vst v63  }
0x2d: {  	_ =	swait.ge [sflag:s20], $0x4E20  }
0x2e: {  	[sflag:s20] =	ssyncset.done $0x0  }
0x2f: {  	[sflag:s20] =	ssyncadd.s32 $0xFFFFB1E0  }
0x30: {  	v8 =	vld.idx.msk [tilespmem:v6+s22+$0x0], $0xffff  }
0x31: {  	s10 =	simm.s32 $0x10  }
0x32: {  	v7 =	vor.u32 s10, v1;
	s0 =	simm.s32 $0x20  }
.LBB2_2:
0x33: {  	p0 =	sne.s32 s0, $0x4E10;
	_ =	sdelay $0x1  }
0x34: {  	v8 =	vadd.s32 v0, v8  }
.Ltmp2:
0x35: {  	[tilespmem:v6+s22+$0x0] =	vst.idx.msk $0xffff, v8;
	v6 =	vmov v7;
	(pc) =	sbr.rel @p0 .LBB2_2-.Ltmp2, $2  }
0x36: {  	v8 =	vld.idx.msk [tilespmem:v7+s22+$0x0], $0xffff;
	_ =	sdelay $0x2  }
0x37: {  	v7 =	vor.u32 s0, v1;
	s0 =	sadd.s32 $0x10, s0  }
0x38: {  	_ =	sdelay $0x2  }
0x39: {  	v8 =	vadd.s32 v0, v8  }
0x3a: {  	[tilespmem:v6+s22+$0x0] =	vst.idx.msk $0xffff, v8  }
0x3b: {  	v6 =	vld.idx.msk [tilespmem:v7+s22+$0x0], $0xffff;
	_ =	sdelay $0x4  }
0x3c: {  	s1 =	simm.s32 $0x0;
	v6 =	vadd.s32 v0, v6  }
0x3d: {  	s0 =	simm.s32 $0x10;
	[tilespmem:v7+s22+$0x0] =	vst.idx.msk $0xffff, v6;
	v6 =	vor.u32 s1, v1  }
.LBB2_4:
0x3e: {  	p0 =	sne.s32 s0, $0x27F0  }
.Ltmp3:
0x3f: {  	_ = 	snop;
	(pc) =	sbr.rel @p0 .LBB2_4-.Ltmp3, $3  }
0x40: {  	_ =	sdelay $0x1  }
0x41: {  	[tilespmem:v6+s24+$0x0] =	vst.idx.msk $0xffff, v2;
	s1 =	smov.u32 s0;
	s0 =	sadd.s32 $0x10, s0  }
0x42: {  	v6 =	vor.u32 s1, v1  }
0x43: {  	s0 =	simm.s32 $0x0  }
0x44: {  	v8 =	vor.u32 s0, v1;
	_ =	sdelay $0x2  }
0x45: {  	[tilespmem:v6+s24+$0x0] =	vst.idx.msk $0xffff, v2;
	v6 =	vor.u32 s0, v3  }
0x46: {  	s1 =	simm.s32 $0x1;
	v7 =	vor.u32 s0, v4  }
.LBB2_6:
0x47: {  	[tilespmem:v8+s25+$0x0] =	vst.idx.msk $0xffff, v2;
	v9 =	vor.u32 s0, v5;
	s0 =	sshll.u32 s1, $0x6;
	p0 =	sne.s32 s1, $0x4F  }
.Ltmp4:
0x48: {  	v8 =	vor.u32 s0, v1;
	(pc) =	sbr.rel @p0 .LBB2_6-.Ltmp4, $4  }
0x49: {  	_ = 	snop  }
0x4a: {  	[tilespmem:v6+s25+$0x0] =	vst.idx.msk $0xffff, v2  }
0x4b: {  	v6 =	vor.u32 s0, v3;
	[tilespmem:v7+s25+$0x0] =	vst.idx.msk $0xffff, v2  }
0x4c: {  	s1 =	sadd.s32 $0x1, s1;
	v7 =	vor.u32 s0, v4;
	[tilespmem:v9+s25+$0x0] =	vst.idx.msk $0xffff, v2  }
0x4d: {  	_ =	sdelay $0x1  }
0x4e: {  	v9 =	vor.u32 s0, v5;
	_ =	sdelay $0x1  }
0x4f: {  	[tilespmem:v8+s25+$0x0] =	vst.idx.msk $0xffff, v2  }
0x50: {  	[tilespmem:v6+s25+$0x0] =	vst.idx.msk $0xffff, v2  }
0x51: {  	[tilespmem:v7+s25+$0x0] =	vst.idx.msk $0xffff, v2  }
0x52: {  	[tilespmem:v9+s25+$0x0] =	vst.idx.msk $0xffff, v2  }
0x53: {  	[spmem:s9] =	stream.linear.scatter [tilespmem:s25], [sflag:$0x2], $0x1400, $0x38;
	[tilespmem:$0x1C6B0] =	vst v63  }
0x54: {  	_ =	swait.ge [sflag:s20], $0x1400  }
0x55: {  	[sflag:s20] =	ssyncset.done $0x0  }
0x56: {  	s10 =	rddreg [dreg:$0x8];
	[sflag:s20] =	ssyncadd.s32 $0xFFFFEC00  }
0x57: {  	[spmem:s10] =	stream.linear.scatter [tilespmem:s25], [sflag:$0x2], $0x1400, $0x38;
	[tilespmem:$0x1C6B0] =	vst v63  }
0x58: {  	_ =	swait.ge [sflag:s20], $0x1400  }
0x59: {  	[sflag:s20] =	ssyncset.done $0x0  }
0x5a: {  	[sflag:s20] =	ssyncadd.s32 $0xFFFFEC00  }
0x5b: {  	[spmem:s11] =	stream.linear.scatter [tilespmem:s25], [sflag:$0x2], $0x1400, $0x38;
	[tilespmem:$0x1C6B0] =	vst v63  }
0x5c: {  	_ =	swait.ge [sflag:s20], $0x1400  }
0x5d: {  	[sflag:s20] =	ssyncset.done $0x0  }
0x5e: {  	[sflag:s20] =	ssyncadd.s32 $0xFFFFEC00  }
0x5f: {  	[spmem:s12] =	stream.linear.scatter [tilespmem:s25], [sflag:$0x2], $0x1400, $0x38;
	[tilespmem:$0x1C6B0] =	vst v63  }
0x60: {  	_ =	swait.ge [sflag:s20], $0x1400  }
0x61: {  	[sflag:s20] =	ssyncset.done $0x0  }
0x62: {  	[sflag:s20] =	ssyncadd.s32 $0xFFFFEC00  }
0x63: {  	[spmem:s13] =	stream.linear.scatter [tilespmem:s25], [sflag:$0x2], $0x1400, $0x38;
	[tilespmem:$0x1C6B0] =	vst v63  }
0x64: {  	_ =	swait.ge [sflag:s20], $0x1400  }
0x65: {  	[sflag:s20] =	ssyncset.done $0x0  }
0x66: {  	[sflag:s20] =	ssyncadd.s32 $0xFFFFEC00  }
0x67: {  	[spmem:s14] =	stream.linear.scatter [tilespmem:s25], [sflag:$0x2], $0x1400, $0x38;
	[tilespmem:$0x1C6B0] =	vst v63  }
0x68: {  	_ =	swait.ge [sflag:s20], $0x1400  }
0x69: {  	[sflag:s20] =	ssyncset.done $0x0  }
0x6a: {  	[sflag:s20] =	ssyncadd.s32 $0xFFFFEC00  }
0x6b: {  	[spmem:s15] =	stream.linear.scatter [tilespmem:s25], [sflag:$0x2], $0x1400, $0x38;
	[tilespmem:$0x1C6B0] =	vst v63  }
0x6c: {  	_ =	swait.ge [sflag:s20], $0x1400  }
0x6d: {  	[sflag:s20] =	ssyncset.done $0x0  }
0x6e: {  	[sflag:s20] =	ssyncadd.s32 $0xFFFFEC00  }
0x6f: {  	[spmem:s16] =	stream.linear.scatter [tilespmem:s25], [sflag:$0x2], $0x1400, $0x38;
	[tilespmem:$0x1C6B0] =	vst v63  }
0x70: {  	_ =	swait.ge [sflag:s20], $0x1400  }
0x71: {  	[sflag:s20] =	ssyncset.done $0x0  }
0x72: {  	[sflag:s20] =	ssyncadd.s32 $0xFFFFEC00  }
0x73: {  	s1 =	simm.s32 $0x0;
	s0 =	simm.s32 $0x0;
	[bflag:$0x0] =	sbarrier.arrive $0xFFFF  }
.LBB2_8:
0x74: {  	s5 =	smul.u32 $0x50, s0  }
0x75: {  	s6 =	sadd.s32 $0x0, s1  }
0x76: {  	v6 =	vor.u32 s6, v1;
	s7 =	sadd.s32 $0x7620, s5  }
0x77: {  	[tilespmem:s25], [sflag:$0x1] =	stream.indirect.gather [hbm4b:s4+s26], $0x40, s7, s26, $0xb8;
	[tilespmem:$0x1C6B0] =	vst v63  }
0x78: {  	_ =	swait.ge [sflag:s28], $0x1400  }
0x79: {  	[sflag:s28] =	ssyncset.done $0x0  }
0x7a: {  	[sflag:s28] =	ssyncadd.s32 $0xFFFFEC00  }
0x7b: {  	v7 =	vld.idx.msk [tilespmem:v6+s22+$0x0], $0xffff;
	_ =	sdelay $0x2  }
0x7c: {  	v6 =	vld.idx.msk [tilespmem:v6+s23+$0x0], $0xffff;
	_ =	sdelay $0x1  }
0x7d: {  	v8 =	vsub.s32 v7, v0  }
0x7e: {  	v7 =	vand.u32 $0x7, v7;
	v8 =	vand.u32 $0xFFFFFFF8, v8  }
0x7f: {  	v7 =	vor.u32 v7, v8;
	_ =	sdelay $0x3  }
0x80: {  	v8 =	vld.idx.msk [tilespmem:v6+s21+$0x0], $0xffff  }
0x81: {  	v7 =	vld.idx.msk [tilespmem:v7+s31+$0x0], $0xffff;
	_ =	sdelay $0x4  }
0x82: {  	v7 =	vadd.f32 v8, v7;
	_ =	sdelay $0x1  }
0x83: {  	v8 =	vmul.f32 $2.000000030e-01, v7  }
0x84: {  	vm0 =	vge.f32 v7, $0.0e+00  }
0x85: {  	v7 =	vsel vm0, v7, v8  }
0x86: {  	v7 =	vmul.f32 $1.442695020e+00, v7;
	_ =	sdelay $0x1  }
0x87: {  	(erf) = vpow2.f32 v7;
	_ =	sdelay $0x5  }
0x88: {  	s10 =	sadd.s32 $0x10, s1;
	v8 =	vor.u32 s31, v1  }
0x89: {  	s6 =	simm.s32 $0x10;
	s7 =	simm.s32 $0x20;
	v7 =	vor.u32 s10, v1  }
.LBB2_9:
0x8a: {  	p0 =	sne.s32 s7, $0x40  }
0x8b: {  	v9 =	vpop (erf)  }
0x8c: {  	[tilespmem:v6+s24+$0x0] =	vst.idx.add.f32.msk $0xffff, v9  }
0x8d: {  	[tilespmem:v8+s29+$0x0] =	vst.idx.msk $0xffff, v9  }
0x8e: {  	v8 =	vld.idx.msk [tilespmem:v7+s22+$0x0], $0xffff;
	_ =	sdelay $0x3  }
0x8f: {  	v6 =	vld.idx.msk [tilespmem:v7+s23+$0x0], $0xffff;
	_ =	sdelay $0x1  }
0x90: {  	v7 =	vsub.s32 v8, v0  }
0x91: {  	v8 =	vand.u32 $0x7, v8;
	v7 =	vand.u32 $0xFFFFFFF8, v7  }
0x92: {  	v7 =	vor.u32 v8, v7;
	_ =	sdelay $0x3  }
0x93: {  	v8 =	vld.idx.msk [tilespmem:v6+s21+$0x0], $0xffff  }
0x94: {  	v7 =	vld.idx.msk [tilespmem:v7+s8+$0x0], $0xffff;
	_ =	sdelay $0x5  }
0x95: {  	v7 =	vadd.f32 v8, v7;
	_ =	sdelay $0x1  }
0x96: {  	v8 =	vmul.f32 $2.000000030e-01, v7  }
0x97: {  	vm0 =	vge.f32 v7, $0.0e+00  }
0x98: {  	v7 =	vsel vm0, v7, v8  }
0x99: {  	v7 =	vmul.f32 $1.442695020e+00, v7;
	_ =	sdelay $0x1  }
0x9a: {  	(erf) = vpow2.f32 v7;
	_ =	sdelay $0x2  }
.Ltmp5:
0x9b: {  	(pc) =	sbr.rel @p0 .LBB2_9-.Ltmp5, $3  }
0x9c: {  	_ =	sdelay $0x1  }
0x9d: {  	s10 =	sadd.s32 s7, s1;
	v8 =	vor.u32 s6, v1;
	s6 =	smov.u32 s7  }
0x9e: {  	s7 =	sadd.s32 $0x10, s7;
	v7 =	vor.u32 s10, v1  }
0x9f: {  	_ =	sdelay $0x2  }
0xa0: {  	v9 =	vpop (erf)  }
0xa1: {  	[tilespmem:v6+s24+$0x0] =	vst.idx.add.f32.msk $0xffff, v9  }
0xa2: {  	[tilespmem:v8+s29+$0x0] =	vst.idx.msk $0xffff, v9  }
0xa3: {  	v6 =	vld.idx.msk [tilespmem:v7+s22+$0x0], $0xffff;
	_ =	sdelay $0x2  }
0xa4: {  	v7 =	vld.idx.msk [tilespmem:v7+s23+$0x0], $0xffff;
	_ =	sdelay $0x1  }
0xa5: {  	v8 =	vsub.s32 v6, v0  }
0xa6: {  	v6 =	vand.u32 $0x7, v6;
	v8 =	vand.u32 $0xFFFFFFF8, v8  }
0xa7: {  	v6 =	vor.u32 v6, v8;
	_ =	sdelay $0x3  }
0xa8: {  	v8 =	vld.idx.msk [tilespmem:v7+s21+$0x0], $0xffff  }
0xa9: {  	v6 =	vld.idx.msk [tilespmem:v6+s8+$0x0], $0xffff;
	_ =	sdelay $0x4  }
0xaa: {  	v6 =	vadd.f32 v8, v6;
	_ =	sdelay $0x1  }
0xab: {  	v8 =	vmul.f32 $2.000000030e-01, v6  }
0xac: {  	vm0 =	vge.f32 v6, $0.0e+00  }
0xad: {  	v6 =	vsel vm0, v6, v8  }
0xae: {  	v6 =	vmul.f32 $1.442695020e+00, v6;
	_ =	sdelay $0x1  }
0xaf: {  	(erf) = vpow2.f32 v6;
	_ =	sdelay $0x5  }
0xb0: {  	p1 =	por $0x1, $0x1;
	v9 =	vor.u32 s6, v1  }
.Ltmp6:
0xb1: {  	_ = 	snop;
	(pc) =	sbr.rel @!p1 .LBB2_11-.Ltmp6, $4  }
0xb2: {  	_ = 	snop  }
0xb3: {  	v8 =	vmov s8;
	v10 =	vpop (erf)  }
0xb4: {  	v6 =	vshll.u32 v8, $0x6;
	[tilespmem:v7+s24+$0x0] =	vst.idx.add.f32.msk $0xffff, v10  }
0xb5: {  	p0 =	por $0x0, $0x0;
	s6 =	simm.s32 $0x1;
	v7 =	vor.u32 v1, v6;
	[tilespmem:v9+s29+$0x0] =	vst.idx.msk $0xffff, v10  }
0xb6: {  	_ =	sdelay $0x3  }
0xb7: {  	v10 =	vld.idx.msk [tilespmem:v8+s29+$0x0], $0xffff  }
0xb8: {  	v8 =	vld.idx.msk [tilespmem:v7+s25+$0x0], $0xffff;
	_ =	sdelay $0x2  }
0xb9: {  	v9 =	vor.u32 v3, v6;
	_ =	sdelay $0x1  }
0xba: {  	v8 =	vmul.f32 v8, v10;
	_ =	sdelay $0x1  }
0xbb: {  	[tilespmem:v7+s25+$0x0] =	vst.idx.msk $0xffff, v8  }
0xbc: {  	v7 =	vld.idx.msk [tilespmem:v9+s25+$0x0], $0xffff;
	_ =	sdelay $0x2  }
0xbd: {  	v8 =	vor.u32 v4, v6;
	_ =	sdelay $0x1  }
0xbe: {  	v7 =	vmul.f32 v7, v10;
	_ =	sdelay $0x1  }
0xbf: {  	[tilespmem:v9+s25+$0x0] =	vst.idx.msk $0xffff, v7  }
0xc0: {  	v7 =	vld.idx.msk [tilespmem:v8+s25+$0x0], $0xffff;
	_ =	sdelay $0x2  }
0xc1: {  	v9 =	vor.u32 v5, v6;
	_ =	sdelay $0x1  }
0xc2: {  	v6 =	vmul.f32 v7, v10;
	_ =	sdelay $0x1  }
0xc3: {  	[tilespmem:v8+s25+$0x0] =	vst.idx.msk $0xffff, v6  }
0xc4: {  	p1 =	por $0x1, $0x1;
	v11 =	vld.idx.msk [tilespmem:v9+s25+$0x0], $0xffff  }
.Ltmp7:
0xc5: {  	_ = 	snop;
	(pc) =	sbr.rel @!p1 .LBB2_14-.Ltmp7, $4  }
0xc6: {  	v8 =	vmov s6  }
0xc7: {  	v6 =	vshll.u32 v8, $0x6  }
0xc8: {  	v7 =	vor.u32 v1, v6  }
0xc9: {  	p0 =	por $0x1, $0x1;
	s6 =	simm.s32 $0x2;
	v10 =	vmul.f32 v11, v10  }
.LBB2_13:
0xca: {  	_ = 	snop  }
0xcb: {  	p1 =	sne.s32 s6, $0x4F;
	s7 =	smov.u32 s6;
	s6 =	sadd.s32 $0x1, s6;
	[tilespmem:v9+s25+$0x0] =	vst.idx.msk $0xffff, v10  }
0xcc: {  	v10 =	vld.idx.msk [tilespmem:v8+s29+$0x0], $0xffff  }
0xcd: {  	v8 =	vld.idx.msk [tilespmem:v7+s25+$0x0], $0xffff;
	_ =	sdelay $0x3  }
0xce: {  	v9 =	vor.u32 v3, v6;
	_ =	sdelay $0x1  }
0xcf: {  	v8 =	vmul.f32 v8, v10;
	_ =	sdelay $0x1  }
0xd0: {  	[tilespmem:v7+s25+$0x0] =	vst.idx.msk $0xffff, v8  }
0xd1: {  	v7 =	vld.idx.msk [tilespmem:v9+s25+$0x0], $0xffff;
	_ =	sdelay $0x3  }
0xd2: {  	v8 =	vor.u32 v4, v6;
	_ =	sdelay $0x1  }
0xd3: {  	v7 =	vmul.f32 v7, v10;
	_ =	sdelay $0x1  }
0xd4: {  	[tilespmem:v9+s25+$0x0] =	vst.idx.msk $0xffff, v7  }
0xd5: {  	v7 =	vld.idx.msk [tilespmem:v8+s25+$0x0], $0xffff;
	_ =	sdelay $0x3  }
0xd6: {  	v9 =	vor.u32 v5, v6;
	_ =	sdelay $0x1  }
0xd7: {  	v6 =	vmul.f32 v7, v10;
	_ =	sdelay $0x1  }
0xd8: {  	[tilespmem:v8+s25+$0x0] =	vst.idx.msk $0xffff, v6  }
0xd9: {  	v11 =	vld.idx.msk [tilespmem:v9+s25+$0x0], $0xffff;
	_ =	sdelay $0x1  }
.Ltmp8:
0xda: {  	(pc) =	sbr.rel @p1 .LBB2_13-.Ltmp8, $4  }
0xdb: {  	v8 =	vmov s7  }
0xdc: {  	v6 =	vshll.u32 v8, $0x6  }
0xdd: {  	v7 =	vor.u32 v1, v6  }
0xde: {  	v10 =	vmul.f32 v11, v10  }
.LBB2_14:
0xdf: {  	_ =	sdelay $0x3  }
0xe0: {  	[tilespmem:v9+s25+$0x0] =	vst.idx.msk @p0 $0xffff, v10  }
0xe1: {  	v8 =	vld.idx.msk [tilespmem:v8+s29+$0x0], $0xffff  }
0xe2: {  	v9 =	vld.idx.msk [tilespmem:v7+s25+$0x0], $0xffff;
	_ =	sdelay $0x2  }
0xe3: {  	v62 =	vor.u32 v3, v6;
	_ =	sdelay $0x1  }
0xe4: {  	v9 =	vmul.f32 v9, v8;
	_ =	sdelay $0x1  }
0xe5: {  	[tilespmem:v7+s25+$0x0] =	vst.idx.msk $0xffff, v9  }
0xe6: {  	v7 =	vld.idx.msk [tilespmem:v62+s25+$0x0], $0xffff;
	_ =	sdelay $0x2  }
0xe7: {  	v63 =	vor.u32 v4, v6;
	_ =	sdelay $0x1  }
0xe8: {  	v7 =	vmul.f32 v7, v8;
	_ =	sdelay $0x1  }
0xe9: {  	[tilespmem:v62+s25+$0x0] =	vst.idx.msk $0xffff, v7  }
0xea: {  	v7 =	vld.idx.msk [tilespmem:v63+s25+$0x0], $0xffff;
	_ =	sdelay $0x2  }
0xeb: {  	v6 =	vor.u32 v5, v6;
	_ =	sdelay $0x1  }
0xec: {  	v7 =	vmul.f32 v7, v8;
	_ =	sdelay $0x1  }
0xed: {  	[tilespmem:v63+s25+$0x0] =	vst.idx.msk $0xffff, v7  }
0xee: {  	v7 =	vld.idx.msk [tilespmem:v6+s25+$0x0], $0xffff;
	_ =	sdelay $0x4  }
0xef: {  	v7 =	vmul.f32 v7, v8  }
0xf0: {  	s0 =	sadd.s32 $0x1, s0  }
0xf1: {  	s5 =	sadd.s32 $0xC440, s5;
	p0 =	sne.s32 s0, $0xFA;
	[tilespmem:v6+s25+$0x0] =	vst.idx.msk $0xffff, v7  }
0xf2: {  	[spmem:s2] =	stream.indirect.scatter.add.f32 [tilespmem:s25], [sflag:$0x2], $0x40, s5, s26, $0xb8;
	[tilespmem:$0x1C6B0] =	vst v63  }
.Ltmp9:
0xf3: {  	_ = 	snop;
	(pc) =	sbr.rel @p0 .LBB2_8-.Ltmp9, $4  }
.Ltmp10:
0xf4: {  	_ = 	snop;
	(pc) =	sbr.rel @!p0 .LBB2_15-.Ltmp10, $4  }
0xf5: {  	_ =	swait.ge [sflag:s20], $0x1400  }
0xf6: {  	[sflag:s20] =	ssyncset.done $0x0  }
0xf7: {  	s1 =	sadd.s32 $0x50, s1;
	[sflag:s20] =	ssyncadd.s32 $0xFFFFEC00  }
0xf8: {  	_ = 	snop  }
.LBB2_11:
.Ltmp11:
0xf9: {  	(pc) =	sbr.rel .LBB2_14-.Ltmp11, $2  }
0xfa: {  	_ =	sdelay $0x2  }
0xfb: {  	_ = 	snop  }
.LBB2_16:
0xfc: {  	_ =	sfence.sel $0x180000  }
0xfd: {  	[bflag:$0x0] =	sbarrier.arrive $0xFFFF  }
0xfe: {  	_ =	strace $0x90000047  }
0xff: {  	s0 =	stileid.u32;
	[bflag:$0x2] =	sbarrier.arrive $0xFFFF  }
0x100: {  	p0 =	sne.s32 s0, $0x0;
	s0 =	rddreg [dreg:$0x3]  }
0x101: {  	s0 =	sadd.s32 @!p0 $0x100000, s0  }
0x102: {  	[sflag:s0] =	ssyncadd.tile.s32 @!p0 $0x1;
	_ =	shalt  }
.Lfunc_end2:
_tile_overlayer_lowered:
.L_overlay_start_2:
0x103: {  	(tag) =	ssettag $0x2  }
0x104: {  	s0 =	rddreg [dreg:$0x0];
	s2 =	stileid.u32  }
0x105: {  	s1 =	rddreg [dreg:$0x1];
	p0 =	sne.s32 s2, $0x0  }
0x106: {  	s3 =	rddreg [dreg:$0x2];
	[bflag:$0x3] =	sbarrier.arrive $0xFFFF;
	s2 =	simm.s32 @!p0 $0x1C02  }
0x107: {  	[timem:s3], [sflag:s2] =	dma.local @!p0 [hbm:s0], s1  }
0x108: {  	s0 =	simm.s32 @!p0 $0x2  }
0x109: {  	_ =	swait.ge @!p0 [sflag:s0], s1  }
0x10a: {  	s1 =	ssub.s32 @!p0 $0x0, s1;
	[sflag:s0] =	ssyncset.done @!p0 $0x0  }
0x10b: {  	[sflag:s0] =	ssyncadd.s32 @!p0 s1  }
0x10c: {  	[bflag:$0x3] =	sbarrier.arrive $0xFFFF  }
0x10d: {  	_ =	shalt  }

</sc_bundles>
